<compile_context>
chip_gen: v7x
topology: tpu7x:2x2x1
jax: 0.10.2.dev20260603
libtpu: 0.0.44.dev20260713+nightly
codegen_flags: <defaults>
</compile_context>

<pallas_src>
import functools
import jax
import jax.numpy as jnp
from jax import lax
from jax.experimental import pallas as pl
from jax.experimental.pallas import tpu as pltpu
from jax.experimental.pallas import tpu_sc as plsc

EMB = 64
PAIRW = 2 * EMB
SEQ = 200
NPAIR_L = SEQ // 2
CHUNK = 128
NUM_WORKERS = 32

_DNUMS = lax.GatherDimensionNumbers(
    offset_dims=(), collapsed_slice_dims=(0,), start_index_map=(0,))


def _shuffle(x, perm):
    return lax.gather(x, perm.reshape(16, 1), _DNUMS, slice_sizes=(1,),
                      mode=lax.GatherScatterMode.PROMISE_IN_BOUNDS)


NBUF = 4


def _sc_body(batch_hbm, table4_hbm, out_hbm, table_sh, tok_v, idx_v,
             rows_v, gsem, tsem, wsem):
    n_pairs = out_hbm.shape[0]
    per_w = n_pairs // NUM_WORKERS
    n_chunks = per_w // CHUNK
    sid = lax.axis_index("s")
    wid = sid * 2 + lax.axis_index("c")
    base_w = wid * per_w

    n_tab = table4_hbm.shape[0]
    pltpu.sync_copy(table4_hbm, table_sh.at[pl.ds(sid * n_tab, n_tab)])
    plsc.subcore_barrier()

    iota16 = lax.iota(jnp.int32, 16)
    lane_lo = iota16 < 8
    perm_e_lo = jnp.where(lane_lo, 2 * iota16, 0)
    perm_e_hi = jnp.where(lane_lo, 0, 2 * iota16 - 16)
    perm_o_lo = perm_e_lo + jnp.where(lane_lo, 1, 0)
    perm_o_hi = perm_e_hi + jnp.where(lane_lo, 0, 1)

    def _tok_start(c, k):
        pltpu.async_copy(
            batch_hbm.at[pl.ds(2 * (base_w + c * CHUNK), 2 * CHUNK)],
            tok_v.at[k], tsem.at[k])

    def _tok_wait(k):
        pltpu.make_async_copy(
            batch_hbm.at[pl.ds(0, 2 * CHUNK)], tok_v.at[k], tsem.at[k]).wait()

    def _compute_idx(c, k):
        base = base_w + c * CHUNK

        def _idx(g, _):
            t0 = tok_v[k, pl.ds(32 * g, 16)]
            t1 = tok_v[k, pl.ds(32 * g + 16, 16)]
            e = jnp.where(lane_lo, _shuffle(t0, perm_e_lo),
                          _shuffle(t1, perm_e_hi))
            o = jnp.where(lane_lo, _shuffle(t0, perm_o_lo),
                          _shuffle(t1, perm_o_hi))
            m = (jnp.where(e != 0, 1, 0) + jnp.where(o != 0, 2, 0))
            lp = lax.rem(base + g * 16 + iota16, NPAIR_L)
            idx_v[k, pl.ds(g * 16, 16)] = sid * (4 * NPAIR_L) + lp * 4 + m
            return 0
        lax.fori_loop(0, CHUNK // 16, _idx, 0)

    def _gather_start(c, k):
        pltpu.async_copy(table_sh.at[idx_v.at[k]], rows_v.at[k], gsem.at[k])

    def _gather_wait(k):
        pltpu.make_async_copy(
            table_sh.at[idx_v.at[k]], rows_v.at[k], gsem.at[k]).wait()

    def _write_start(c, k):
        pltpu.async_copy(rows_v.at[k],
                         out_hbm.at[pl.ds(base_w + c * CHUNK, CHUNK)],
                         wsem.at[k])

    def _write_wait(k):
        pltpu.make_async_copy(
            rows_v.at[k], out_hbm.at[pl.ds(base_w, CHUNK)], wsem.at[k]).wait()

    for c0 in range(NBUF):
        _tok_start(c0, c0)

    def _body(c, _):
        k = lax.rem(c, NBUF)
        _tok_wait(k)
        _compute_idx(c, k)

        @pl.when(c + NBUF < n_chunks)
        def _():
            _tok_start(c + NBUF, k)

        @pl.when(c >= NBUF)
        def _():
            _write_wait(k)

        @pl.when(c >= 2)
        def _():
            k2 = lax.rem(c - 2, NBUF)
            _write_start(c - 2, k2)
        return 0
    lax.fori_loop(0, n_chunks, _body, 0)

    for c in (n_chunks - 2, n_chunks - 1):
        k2 = c % NBUF
        _write_start(c, k2)
    for k in range(NBUF):
        _write_wait(k)


def _build_pair_table(emb_table):
    t = emb_table.at[0].set(0.0)
    left = t[1:SEQ:2]
    right = t[2:SEQ + 1:2]
    tb = jnp.zeros((NPAIR_L, 4, PAIRW), jnp.float32)
    tb = tb.at[:, 1, :EMB].set(left).at[:, 3, :EMB].set(left)
    tb = tb.at[:, 2, EMB:].set(right).at[:, 3, EMB:].set(right)
    return tb.reshape(NPAIR_L * 4, PAIRW)


def kernel(batch, emb_table):
    B, L = batch.shape
    E = emb_table.shape[1]
    n_pairs = B * L // 2
    batch_flat = batch.reshape(B * L)
    table4 = _build_pair_table(emb_table)
    mesh = plsc.VectorSubcoreMesh(core_axis_name="c", subcore_axis_name="s")
    out = pl.kernel(
        _sc_body,
        out_type=jax.ShapeDtypeStruct((n_pairs, PAIRW), jnp.float32),
        mesh=mesh,
        scratch_types=[
            pltpu.VMEM_SHARED((16 * NPAIR_L * 4, PAIRW), jnp.float32),
            pltpu.VMEM((NBUF, 2 * CHUNK), jnp.int32),
            pltpu.VMEM((NBUF, CHUNK), jnp.int32),
            pltpu.VMEM((NBUF, CHUNK, PAIRW), jnp.float32),
            pltpu.SemaphoreType.DMA((NBUF,)),
            pltpu.SemaphoreType.DMA((NBUF,)),
            pltpu.SemaphoreType.DMA((NBUF,)),
        ],
    )(batch_flat, table4)
    return out.reshape(B, L, E)

# --- scband reference (transcript-rebuilt; emitter-appended) ---
"""Pipeline reference for scband-positional-embeddings-49340584296864 (READ-ONLY COPY).

The authoritative reference and input builder live on the scoring server;
editing this copy changes nothing except your own understanding.
"""

import jax, jax.numpy as jnp
import numpy as np

EMB_SIZE = 64
MAX_POSITION = 256
PAD_INDEX = 0
BATCH = 16384
SEQ_LEN = 200


def setup_inputs(seed: int = 0) -> dict:
    key = jax.random.key(seed)
    k1, k2 = jax.random.split(key)
    batch = jax.random.randint(k1, (BATCH, SEQ_LEN), 0, 1000, dtype=jnp.int32)
    emb_table = jax.random.normal(k2, (MAX_POSITION, EMB_SIZE), dtype=jnp.float32) * 0.02
    emb_table = emb_table.at[0].set(0.0)  # padding_idx=0 row is zeros in torch nn.Embedding
    return {"batch": batch, "emb_table": emb_table}


def reference(batch, emb_table):
    # get_positions: positions 1..L, set to 0 where token == pad_index
    B, L = batch.shape
    positions = jnp.broadcast_to(jnp.arange(1, L + 1, dtype=batch.dtype), (B, L))
    positions = jnp.where(batch == PAD_INDEX, jnp.zeros_like(positions), positions)
    # nn.Embedding with padding_idx=0: row 0 is zero
    table = emb_table.at[0].set(0.0)
    embeddings = jnp.take(table, positions, axis=0)
    return embeddings

if __name__ == "__main__":
    import jax
    _d = setup_inputs()
    print(jax.jit(kernel)(*tuple(_d.values())))

</pallas_src>

<mosaic_0001>
#map = affine_map<(d0, d1) -> (0)>
#map1 = affine_map<(d0, d1) -> (0, 0)>
module attributes {stable_mosaic.version = 14 : i64} {
  func.func @_sc_body(%arg0: i32, %arg1: i32, %arg2: memref<3276800xi32, #tpu.memory_space<hbm>>, %arg3: memref<400x128xf32, #tpu.memory_space<hbm>>, %arg4: memref<1638400x128xf32, #tpu.memory_space<hbm>>, %arg5: memref<6400x128xf32, #tpu.memory_space<vmem_shared>>, %arg6: memref<4x256xi32, #tpu.memory_space<vmem>>, %arg7: memref<4x128xi32, #tpu.memory_space<vmem>>, %arg8: memref<4x128x128xf32, #tpu.memory_space<vmem>>, %arg9: memref<4x!tpu.dma_semaphore, #tpu.memory_space<semaphore_mem>>, %arg10: memref<4x!tpu.dma_semaphore, #tpu.memory_space<semaphore_mem>>, %arg11: memref<4x!tpu.dma_semaphore, #tpu.memory_space<semaphore_mem>>) attributes {dimension_semantics = [#tpu.dimension_semantics<core_parallel>, #tpu.dimension_semantics<subcore_parallel>], iteration_bounds = array<i64: 2, 16>, scalar_prefetch = 0 : i64, scratch_operands = 7 : i64, tpu.core_type = #tpu.core_type<sc_vector_subcore>, window_params = [{transform_indices = #map}, {transform_indices = #map1}, {transform_indices = #map1}]} {
    %mul3A = arith.constant 2 : i32
    %mul3A_0 = arith.muli %arg1, %mul3A : i32
    %add3A = arith.addi %mul3A_0, %arg0 : i32
    %mul3A_1 = arith.constant 51200 : i32
    %mul3A_2 = arith.muli %add3A, %mul3A_1 : i32
    %mul3A_3 = arith.constant 400 : i32
    %mul3A_4 = arith.muli %arg1, %mul3A_3 : i32
    "tpu.region"() ({
      %run_scoped3A = tpu.sem_alloc : memref<!tpu.dma_semaphore, #tpu.memory_space<semaphore_mem>>
      %dma_start3A_198 = arith.constant 0 : i32
      %dma_start3A_199 = tpu.memref_slice %arg5[%mul3A_4, %dma_start3A_198] : memref<6400x128xf32, #tpu.memory_space<vmem_shared>> -> memref<400x128xf32, #tpu.memory_space<vmem_shared>>
      tpu.enqueue_dma source(%arg3 : memref<400x128xf32, #tpu.memory_space<hbm>>) target(%dma_start3A_199 : memref<400x128xf32, #tpu.memory_space<vmem_shared>>) target_semaphore(%run_scoped3A : memref<!tpu.dma_semaphore, #tpu.memory_space<semaphore_mem>>)
      %dma_wait3A_200 = arith.constant 0 : i32
      %dma_wait3A_201 = tpu.memref_slice %arg5[%mul3A_4, %dma_wait3A_200] : memref<6400x128xf32, #tpu.memory_space<vmem_shared>> -> memref<400x128xf32, #tpu.memory_space<vmem_shared>>
      tpu.wait_dma2 semaphore(%run_scoped3A : memref<!tpu.dma_semaphore, #tpu.memory_space<semaphore_mem>>) src(%arg3 : memref<400x128xf32, #tpu.memory_space<hbm>>) dst(%dma_wait3A_201 : memref<400x128xf32, #tpu.memory_space<vmem_shared>>)
      tpu.yield
    }) : () -> ()
    %barrier3A = arith.constant 0 : index
    tpu.barrier barrier_id(%barrier3A)
    %iota3A = tpu.iota {dimensions = array<i32: 0>} : vector<16xi32>
    %lt3A = arith.constant 8 : i32
    %lt3A_5 = vector.broadcast %lt3A : i32 to vector<16xi32>
    %lt3A_6 = arith.cmpi slt, %iota3A, %lt3A_5 : vector<16xi32>
    %mul3A_7 = arith.constant 2 : i32
    %mul3A_8 = vector.broadcast %mul3A_7 : i32 to vector<16xi32>
    %mul3A_9 = arith.muli %mul3A_8, %iota3A : vector<16xi32>
    %jit3A = arith.constant 0 : i32
    %broadcast_in_dim3A = vector.broadcast %jit3A : i32 to vector<16xi32>
    %select_n3A = arith.select %lt3A_6, %mul3A_9, %broadcast_in_dim3A : vector<16xi1>, vector<16xi32>
    %mul3A_10 = arith.constant 2 : i32
    %mul3A_11 = vector.broadcast %mul3A_10 : i32 to vector<16xi32>
    %mul3A_12 = arith.muli %mul3A_11, %iota3A : vector<16xi32>
    %sub3A = arith.constant 16 : i32
    %sub3A_13 = vector.broadcast %sub3A : i32 to vector<16xi32>
    %sub3A_14 = arith.subi %mul3A_12, %sub3A_13 : vector<16xi32>
    %jit3A_15 = arith.constant 0 : i32
    %broadcast_in_dim3A_16 = vector.broadcast %jit3A_15 : i32 to vector<16xi32>
    %select_n3A_17 = arith.select %lt3A_6, %broadcast_in_dim3A_16, %sub3A_14 : vector<16xi1>, vector<16xi32>
    %jit3A_18 = arith.constant 1 : i32
    %jit3A_19 = arith.constant 0 : i32
    %broadcast_in_dim3A_20 = vector.broadcast %jit3A_18 : i32 to vector<16xi32>
    %broadcast_in_dim3A_21 = vector.broadcast %jit3A_19 : i32 to vector<16xi32>
    %select_n3A_22 = arith.select %lt3A_6, %broadcast_in_dim3A_20, %broadcast_in_dim3A_21 : vector<16xi1>, vector<16xi32>
    %add3A_23 = arith.addi %select_n3A, %select_n3A_22 : vector<16xi32>
    %jit3A_24 = arith.constant 0 : i32
    %jit3A_25 = arith.constant 1 : i32
    %broadcast_in_dim3A_26 = vector.broadcast %jit3A_24 : i32 to vector<16xi32>
    %broadcast_in_dim3A_27 = vector.broadcast %jit3A_25 : i32 to vector<16xi32>
    %select_n3A_28 = arith.select %lt3A_6, %broadcast_in_dim3A_26, %broadcast_in_dim3A_27 : vector<16xi1>, vector<16xi32>
    %add3A_29 = arith.addi %select_n3A_17, %select_n3A_28 : vector<16xi32>
    %add3A_30 = arith.constant 0 : i32
    %add3A_31 = arith.addi %mul3A_2, %add3A_30 : i32
    %mul3A_32 = arith.constant 2 : i32
    %mul3A_33 = arith.muli %mul3A_32, %add3A_31 : i32
    %dma_start3A = arith.constant 0 : i32
    %dma_start3A_34 = arith.constant 0 : i32
    %dma_start3A_35 = arith.constant 0 : i32
    %dma_start3A_36 = tpu.memref_slice %arg6[%dma_start3A, %dma_start3A_35] : memref<4x256xi32, #tpu.memory_space<vmem>> -> memref<1x256xi32, #tpu.memory_space<vmem>>
    %dma_start3A_37 = tpu.memref_squeeze %dma_start3A_36 : memref<1x256xi32, #tpu.memory_space<vmem>> -> memref<256xi32, #tpu.memory_space<vmem>>
    %dma_start3A_38 = tpu.memref_slice %arg2[%mul3A_33] : memref<3276800xi32, #tpu.memory_space<hbm>> -> memref<256xi32, #tpu.memory_space<hbm>>
    %dma_start3A_39 = tpu.memref_slice %arg10[%dma_start3A_34] : memref<4x!tpu.dma_semaphore, #tpu.memory_space<semaphore_mem>> -> memref<1x!tpu.dma_semaphore, #tpu.memory_space<semaphore_mem>>
    %dma_start3A_40 = tpu.memref_squeeze %dma_start3A_39 : memref<1x!tpu.dma_semaphore, #tpu.memory_space<semaphore_mem>> -> memref<!tpu.dma_semaphore, #tpu.memory_space<semaphore_mem>>
    %dma_start3A_41 = arith.constant 0 : i32
    %dma_start3A_42 = tpu.memref_slice %arg6[%dma_start3A, %dma_start3A_41] : memref<4x256xi32, #tpu.memory_space<vmem>> -> memref<1x256xi32, #tpu.memory_space<vmem>>
    %dma_start3A_43 = tpu.memref_squeeze %dma_start3A_42 : memref<1x256xi32, #tpu.memory_space<vmem>> -> memref<256xi32, #tpu.memory_space<vmem>>
    %dma_start3A_44 = tpu.memref_slice %arg2[%mul3A_33] : memref<3276800xi32, #tpu.memory_space<hbm>> -> memref<256xi32, #tpu.memory_space<hbm>>
    tpu.enqueue_dma source(%dma_start3A_44 : memref<256xi32, #tpu.memory_space<hbm>>) target(%dma_start3A_43 : memref<256xi32, #tpu.memory_space<vmem>>) target_semaphore(%dma_start3A_40 : memref<!tpu.dma_semaphore, #tpu.memory_space<semaphore_mem>>)
    %add3A_45 = arith.constant 128 : i32
    %add3A_46 = arith.addi %mul3A_2, %add3A_45 : i32
    %mul3A_47 = arith.constant 2 : i32
    %mul3A_48 = arith.muli %mul3A_47, %add3A_46 : i32
    %dma_start3A_49 = arith.constant 1 : i32
    %dma_start3A_50 = arith.constant 1 : i32
    %dma_start3A_51 = arith.constant 0 : i32
    %dma_start3A_52 = tpu.memref_slice %arg6[%dma_start3A_49, %dma_start3A_51] : memref<4x256xi32, #tpu.memory_space<vmem>> -> memref<1x256xi32, #tpu.memory_space<vmem>>
    %dma_start3A_53 = tpu.memref_squeeze %dma_start3A_52 : memref<1x256xi32, #tpu.memory_space<vmem>> -> memref<256xi32, #tpu.memory_space<vmem>>
    %dma_start3A_54 = tpu.memref_slice %arg2[%mul3A_48] : memref<3276800xi32, #tpu.memory_space<hbm>> -> memref<256xi32, #tpu.memory_space<hbm>>
    %dma_start3A_55 = tpu.memref_slice %arg10[%dma_start3A_50] : memref<4x!tpu.dma_semaphore, #tpu.memory_space<semaphore_mem>> -> memref<1x!tpu.dma_semaphore, #tpu.memory_space<semaphore_mem>>
    %dma_start3A_56 = tpu.memref_squeeze %dma_start3A_55 : memref<1x!tpu.dma_semaphore, #tpu.memory_space<semaphore_mem>> -> memref<!tpu.dma_semaphore, #tpu.memory_space<semaphore_mem>>
    %dma_start3A_57 = arith.constant 0 : i32
    %dma_start3A_58 = tpu.memref_slice %arg6[%dma_start3A_49, %dma_start3A_57] : memref<4x256xi32, #tpu.memory_space<vmem>> -> memref<1x256xi32, #tpu.memory_space<vmem>>
    %dma_start3A_59 = tpu.memref_squeeze %dma_start3A_58 : memref<1x256xi32, #tpu.memory_space<vmem>> -> memref<256xi32, #tpu.memory_space<vmem>>
    %dma_start3A_60 = tpu.memref_slice %arg2[%mul3A_48] : memref<3276800xi32, #tpu.memory_space<hbm>> -> memref<256xi32, #tpu.memory_space<hbm>>
    tpu.enqueue_dma source(%dma_start3A_60 : memref<256xi32, #tpu.memory_space<hbm>>) target(%dma_start3A_59 : memref<256xi32, #tpu.memory_space<vmem>>) target_semaphore(%dma_start3A_56 : memref<!tpu.dma_semaphore, #tpu.memory_space<semaphore_mem>>)
    %add3A_61 = arith.constant 256 : i32
    %add3A_62 = arith.addi %mul3A_2, %add3A_61 : i32
    %mul3A_63 = arith.constant 2 : i32
    %mul3A_64 = arith.muli %mul3A_63, %add3A_62 : i32
    %dma_start3A_65 = arith.constant 2 : i32
    %dma_start3A_66 = arith.constant 2 : i32
    %dma_start3A_67 = arith.constant 0 : i32
    %dma_start3A_68 = tpu.memref_slice %arg6[%dma_start3A_65, %dma_start3A_67] : memref<4x256xi32, #tpu.memory_space<vmem>> -> memref<1x256xi32, #tpu.memory_space<vmem>>
    %dma_start3A_69 = tpu.memref_squeeze %dma_start3A_68 : memref<1x256xi32, #tpu.memory_space<vmem>> -> memref<256xi32, #tpu.memory_space<vmem>>
    %dma_start3A_70 = tpu.memref_slice %arg2[%mul3A_64] : memref<3276800xi32, #tpu.memory_space<hbm>> -> memref<256xi32, #tpu.memory_space<hbm>>
    %dma_start3A_71 = tpu.memref_slice %arg10[%dma_start3A_66] : memref<4x!tpu.dma_semaphore, #tpu.memory_space<semaphore_mem>> -> memref<1x!tpu.dma_semaphore, #tpu.memory_space<semaphore_mem>>
    %dma_start3A_72 = tpu.memref_squeeze %dma_start3A_71 : memref<1x!tpu.dma_semaphore, #tpu.memory_space<semaphore_mem>> -> memref<!tpu.dma_semaphore, #tpu.memory_space<semaphore_mem>>
    %dma_start3A_73 = arith.constant 0 : i32
    %dma_start3A_74 = tpu.memref_slice %arg6[%dma_start3A_65, %dma_start3A_73] : memref<4x256xi32, #tpu.memory_space<vmem>> -> memref<1x256xi32, #tpu.memory_space<vmem>>
    %dma_start3A_75 = tpu.memref_squeeze %dma_start3A_74 : memref<1x256xi32, #tpu.memory_space<vmem>> -> memref<256xi32, #tpu.memory_space<vmem>>
    %dma_start3A_76 = tpu.memref_slice %arg2[%mul3A_64] : memref<3276800xi32, #tpu.memory_space<hbm>> -> memref<256xi32, #tpu.memory_space<hbm>>
    tpu.enqueue_dma source(%dma_start3A_76 : memref<256xi32, #tpu.memory_space<hbm>>) target(%dma_start3A_75 : memref<256xi32, #tpu.memory_space<vmem>>) target_semaphore(%dma_start3A_72 : memref<!tpu.dma_semaphore, #tpu.memory_space<semaphore_mem>>)
    %add3A_77 = arith.constant 384 : i32
    %add3A_78 = arith.addi %mul3A_2, %add3A_77 : i32
    %mul3A_79 = arith.constant 2 : i32
    %mul3A_80 = arith.muli %mul3A_79, %add3A_78 : i32
    %dma_start3A_81 = arith.constant 3 : i32
    %dma_start3A_82 = arith.constant 3 : i32
    %dma_start3A_83 = arith.constant 0 : i32
    %dma_start3A_84 = tpu.memref_slice %arg6[%dma_start3A_81, %dma_start3A_83] : memref<4x256xi32, #tpu.memory_space<vmem>> -> memref<1x256xi32, #tpu.memory_space<vmem>>
    %dma_start3A_85 = tpu.memref_squeeze %dma_start3A_84 : memref<1x256xi32, #tpu.memory_space<vmem>> -> memref<256xi32, #tpu.memory_space<vmem>>
    %dma_start3A_86 = tpu.memref_slice %arg2[%mul3A_80] : memref<3276800xi32, #tpu.memory_space<hbm>> -> memref<256xi32, #tpu.memory_space<hbm>>
    %dma_start3A_87 = tpu.memref_slice %arg10[%dma_start3A_82] : memref<4x!tpu.dma_semaphore, #tpu.memory_space<semaphore_mem>> -> memref<1x!tpu.dma_semaphore, #tpu.memory_space<semaphore_mem>>
    %dma_start3A_88 = tpu.memref_squeeze %dma_start3A_87 : memref<1x!tpu.dma_semaphore, #tpu.memory_space<semaphore_mem>> -> memref<!tpu.dma_semaphore, #tpu.memory_space<semaphore_mem>>
    %dma_start3A_89 = arith.constant 0 : i32
    %dma_start3A_90 = tpu.memref_slice %arg6[%dma_start3A_81, %dma_start3A_89] : memref<4x256xi32, #tpu.memory_space<vmem>> -> memref<1x256xi32, #tpu.memory_space<vmem>>
    %dma_start3A_91 = tpu.memref_squeeze %dma_start3A_90 : memref<1x256xi32, #tpu.memory_space<vmem>> -> memref<256xi32, #tpu.memory_space<vmem>>
    %dma_start3A_92 = tpu.memref_slice %arg2[%mul3A_80] : memref<3276800xi32, #tpu.memory_space<hbm>> -> memref<256xi32, #tpu.memory_space<hbm>>
    tpu.enqueue_dma source(%dma_start3A_92 : memref<256xi32, #tpu.memory_space<hbm>>) target(%dma_start3A_91 : memref<256xi32, #tpu.memory_space<vmem>>) target_semaphore(%dma_start3A_88 : memref<!tpu.dma_semaphore, #tpu.memory_space<semaphore_mem>>)
    %scan3A = arith.constant 0 : i32
    %scan3A_93 = arith.constant 0 : i32
    %scan3A_94 = arith.constant 400 : i32
    %scan3A_95 = arith.addi %scan3A_93, %scan3A_94 : i32
    %scan3A_96 = arith.constant 1 : i32
    %scan3A_97 = scf.for %scan3A_198 = %scan3A_93 to %scan3A_95 step %scan3A_96 iter_args(%scan3A_199 = %scan3A) -> (i32)  : i32 {
      %rem3A = arith.constant 4 : i32
      %rem3A_200 = arith.remsi %scan3A_198, %rem3A : i32
      %dma_wait3A_201 = arith.constant 0 : i32
      %dma_wait3A_202 = tpu.memref_slice %arg6[%rem3A_200, %dma_wait3A_201] : memref<4x256xi32, #tpu.memory_space<vmem>> -> memref<1x256xi32, #tpu.memory_space<vmem>>
      %dma_wait3A_203 = tpu.memref_squeeze %dma_wait3A_202 : memref<1x256xi32, #tpu.memory_space<vmem>> -> memref<256xi32, #tpu.memory_space<vmem>>
      %dma_wait3A_204 = arith.constant 0 : i32
      %dma_wait3A_205 = tpu.memref_slice %arg2[%dma_wait3A_204] : memref<3276800xi32, #tpu.memory_space<hbm>> -> memref<256xi32, #tpu.memory_space<hbm>>
      %dma_wait3A_206 = tpu.memref_slice %arg10[%rem3A_200] : memref<4x!tpu.dma_semaphore, #tpu.memory_space<semaphore_mem>> -> memref<1x!tpu.dma_semaphore, #tpu.memory_space<semaphore_mem>>
      %dma_wait3A_207 = tpu.memref_squeeze %dma_wait3A_206 : memref<1x!tpu.dma_semaphore, #tpu.memory_space<semaphore_mem>> -> memref<!tpu.dma_semaphore, #tpu.memory_space<semaphore_mem>>
      %dma_wait3A_208 = arith.constant 0 : i32
      %dma_wait3A_209 = tpu.memref_slice %arg6[%rem3A_200, %dma_wait3A_208] : memref<4x256xi32, #tpu.memory_space<vmem>> -> memref<1x256xi32, #tpu.memory_space<vmem>>
      %dma_wait3A_210 = tpu.memref_squeeze %dma_wait3A_209 : memref<1x256xi32, #tpu.memory_space<vmem>> -> memref<256xi32, #tpu.memory_space<vmem>>
      %dma_wait3A_211 = arith.constant 0 : i32
      %dma_wait3A_212 = tpu.memref_slice %arg2[%dma_wait3A_211] : memref<3276800xi32, #tpu.memory_space<hbm>> -> memref<256xi32, #tpu.memory_space<hbm>>
      tpu.wait_dma2 semaphore(%dma_wait3A_207 : memref<!tpu.dma_semaphore, #tpu.memory_space<semaphore_mem>>) src(%dma_wait3A_212 : memref<256xi32, #tpu.memory_space<hbm>>) dst(%dma_wait3A_210 : memref<256xi32, #tpu.memory_space<vmem>>)
      %mul3A_213 = arith.constant 128 : i32
      %mul3A_214 = arith.muli %scan3A_198, %mul3A_213 : i32
      %add3A_215 = arith.addi %mul3A_2, %mul3A_214 : i32
      %scan3A_216 = arith.constant 0 : i32
      %scan3A_217 = arith.constant 0 : i32
      %scan3A_218 = arith.constant 8 : i32
      %scan3A_219 = arith.addi %scan3A_217, %scan3A_218 : i32
      %scan3A_220 = arith.constant 1 : i32
      %scan3A_221 = scf.for %scan3A_238 = %scan3A_217 to %scan3A_219 step %scan3A_220 iter_args(%scan3A_239 = %scan3A_216) -> (i32)  : i32 {
        %mul3A_240 = arith.constant 32 : i32
        %mul3A_241 = arith.muli %mul3A_240, %scan3A_238 : i32
        %get3A = arith.index_cast %rem3A_200 : i32 to index
        %get3A_242 = arith.index_cast %mul3A_241 : i32 to index
        %get3A_243 = tpu.vector_load %arg6[%get3A, %get3A_242] {strides = array<i32>} : memref<4x256xi32, #tpu.memory_space<vmem>>, vector<1x16xi32>,
        %get3A_244 = vector.shape_cast %get3A_243 : vector<1x16xi32> to vector<16xi32>
        %mul3A_245 = arith.constant 32 : i32
        %mul3A_246 = arith.muli %mul3A_245, %scan3A_238 : i32
        %add3A_247 = arith.constant 16 : i32
        %add3A_248 = arith.addi %mul3A_246, %add3A_247 : i32
        %get3A_249 = arith.index_cast %rem3A_200 : i32 to index
        %get3A_250 = arith.index_cast %add3A_248 : i32 to index
        %get3A_251 = tpu.vector_load %arg6[%get3A_249, %get3A_250] {strides = array<i32>} : memref<4x256xi32, #tpu.memory_space<vmem>>, vector<1x16xi32>,
        %get3A_252 = vector.shape_cast %get3A_251 : vector<1x16xi32> to vector<16xi32>
        %reshape3A = vector.shape_cast %select_n3A : vector<16xi32> to vector<16x1xi32>
        %gather3A = vector.shape_cast %reshape3A : vector<16x1xi32> to vector<16xi32>
        %gather3A_253 = tpu.dynamic_gather %get3A_244[%gather3A] in [0] : vector<16xi32>, vector<16xi32> -> vector<16xi32>
        %reshape3A_254 = vector.shape_cast %select_n3A_17 : vector<16xi32> to vector<16x1xi32>
        %gather3A_255 = vector.shape_cast %reshape3A_254 : vector<16x1xi32> to vector<16xi32>
        %gather3A_256 = tpu.dynamic_gather %get3A_252[%gather3A_255] in [0] : vector<16xi32>, vector<16xi32> -> vector<16xi32>
        %select_n3A_257 = arith.select %lt3A_6, %gather3A_253, %gather3A_256 : vector<16xi1>, vector<16xi32>
        %reshape3A_258 = vector.shape_cast %add3A_23 : vector<16xi32> to vector<16x1xi32>
        %gather3A_259 = vector.shape_cast %reshape3A_258 : vector<16x1xi32> to vector<16xi32>
        %gather3A_260 = tpu.dynamic_gather %get3A_244[%gather3A_259] in [0] : vector<16xi32>, vector<16xi32> -> vector<16xi32>
        %reshape3A_261 = vector.shape_cast %add3A_29 : vector<16xi32> to vector<16x1xi32>
        %gather3A_262 = vector.shape_cast %reshape3A_261 : vector<16x1xi32> to vector<16xi32>
        %gather3A_263 = tpu.dynamic_gather %get3A_252[%gather3A_262] in [0] : vector<16xi32>, vector<16xi32> -> vector<16xi32>
        %select_n3A_264 = arith.select %lt3A_6, %gather3A_260, %gather3A_263 : vector<16xi1>, vector<16xi32>
        %ne3A = arith.constant 0 : i32
        %ne3A_265 = vector.broadcast %ne3A : i32 to vector<16xi32>
        %ne3A_266 = arith.cmpi ne, %select_n3A_257, %ne3A_265 : vector<16xi32>
        %jit3A_267 = arith.constant 1 : i32
        %jit3A_268 = arith.constant 0 : i32
        %broadcast_in_dim3A_269 = vector.broadcast %jit3A_267 : i32 to vector<16xi32>
        %broadcast_in_dim3A_270 = vector.broadcast %jit3A_268 : i32 to vector<16xi32>
        %select_n3A_271 = arith.select %ne3A_266, %broadcast_in_dim3A_269, %broadcast_in_dim3A_270 : vector<16xi1>, vector<16xi32>
        %ne3A_272 = arith.constant 0 : i32
        %ne3A_273 = vector.broadcast %ne3A_272 : i32 to vector<16xi32>
        %ne3A_274 = arith.cmpi ne, %select_n3A_264, %ne3A_273 : vector<16xi32>
        %jit3A_275 = arith.constant 2 : i32
        %jit3A_276 = arith.constant 0 : i32
        %broadcast_in_dim3A_277 = vector.broadcast %jit3A_275 : i32 to vector<16xi32>
        %broadcast_in_dim3A_278 = vector.broadcast %jit3A_276 : i32 to vector<16xi32>
        %select_n3A_279 = arith.select %ne3A_274, %broadcast_in_dim3A_277, %broadcast_in_dim3A_278 : vector<16xi1>, vector<16xi32>
        %add3A_280 = arith.addi %select_n3A_271, %select_n3A_279 : vector<16xi32>
        %mul3A_281 = arith.constant 16 : i32
        %mul3A_282 = arith.muli %scan3A_238, %mul3A_281 : i32
        %add3A_283 = arith.addi %add3A_215, %mul3A_282 : i32
        %add3A_284 = vector.broadcast %add3A_283 : i32 to vector<16xi32>
        %add3A_285 = arith.addi %add3A_284, %iota3A : vector<16xi32>
        %rem3A_286 = arith.constant 100 : i32
        %rem3A_287 = vector.broadcast %rem3A_286 : i32 to vector<16xi32>
        %rem3A_288 = arith.remsi %add3A_285, %rem3A_287 : vector<16xi32>
        %mul3A_289 = arith.constant 400 : i32
        %mul3A_290 = arith.muli %arg1, %mul3A_289 : i32
        %mul3A_291 = arith.constant 4 : i32
        %mul3A_292 = vector.broadcast %mul3A_291 : i32 to vector<16xi32>
        %mul3A_293 = arith.muli %rem3A_288, %mul3A_292 : vector<16xi32>
        %add3A_294 = vector.broadcast %mul3A_290 : i32 to vector<16xi32>
        %add3A_295 = arith.addi %add3A_294, %mul3A_293 : vector<16xi32>
        %add3A_296 = arith.addi %add3A_295, %add3A_280 : vector<16xi32>
        %mul3A_297 = arith.constant 16 : i32
        %mul3A_298 = arith.muli %scan3A_238, %mul3A_297 : i32
        %swap3A = arith.index_cast %rem3A_200 : i32 to index
        %swap3A_299 = arith.index_cast %mul3A_298 : i32 to index
        %swap3A_300 = tpu.vector_load %arg7[%swap3A, %swap3A_299] {strides = array<i32>} : memref<4x128xi32, #tpu.memory_space<vmem>>, vector<1x16xi32>,
        %swap3A_301 = vector.shape_cast %swap3A_300 : vector<1x16xi32> to vector<16xi32>
        %swap3A_302 = vector.shape_cast %add3A_296 : vector<16xi32> to vector<1x16xi32>
        tpu.vector_store %arg7[%swap3A, %swap3A_299], %swap3A_302 {strides = array<i32>} : memref<4x128xi32, #tpu.memory_space<vmem>>, vector<1x16xi32>,
        %scan3A_303 = arith.constant 0 : i32
        scf.yield %scan3A_303 : i32
      }
      %scan3A_222 = arith.constant 8 : i32
      %add3A_223 = arith.constant 4 : i32
      %add3A_224 = arith.addi %scan3A_198, %add3A_223 : i32
      %lt3A_225 = arith.constant 400 : i32
      %lt3A_226 = arith.cmpi slt, %add3A_224, %lt3A_225 : i32
      %convert_element_type3A = arith.extui %lt3A_226 : i1 to i32
      %cond3A = arith.constant 0 : i32
      %cond3A_227 = arith.cmpi ne, %convert_element_type3A, %cond3A : i32
      scf.if %cond3A_227 {
        %add3A_238 = arith.constant 4 : i32
        %add3A_239 = arith.addi %scan3A_198, %add3A_238 : i32
        %mul3A_240 = arith.constant 128 : i32
        %mul3A_241 = arith.muli %add3A_239, %mul3A_240 : i32
        %add3A_242 = arith.addi %mul3A_2, %mul3A_241 : i32
        %mul3A_243 = arith.constant 2 : i32
        %mul3A_244 = arith.muli %mul3A_243, %add3A_242 : i32
        %dma_start3A_245 = arith.constant 0 : i32
        %dma_start3A_246 = tpu.memref_slice %arg6[%rem3A_200, %dma_start3A_245] : memref<4x256xi32, #tpu.memory_space<vmem>> -> memref<1x256xi32, #tpu.memory_space<vmem>>
        %dma_start3A_247 = tpu.memref_squeeze %dma_start3A_246 : memref<1x256xi32, #tpu.memory_space<vmem>> -> memref<256xi32, #tpu.memory_space<vmem>>
        %dma_start3A_248 = tpu.memref_slice %arg2[%mul3A_244] : memref<3276800xi32, #tpu.memory_space<hbm>> -> memref<256xi32, #tpu.memory_space<hbm>>
        %dma_start3A_249 = tpu.memref_slice %arg10[%rem3A_200] : memref<4x!tpu.dma_semaphore, #tpu.memory_space<semaphore_mem>> -> memref<1x!tpu.dma_semaphore, #tpu.memory_space<semaphore_mem>>
        %dma_start3A_250 = tpu.memref_squeeze %dma_start3A_249 : memref<1x!tpu.dma_semaphore, #tpu.memory_space<semaphore_mem>> -> memref<!tpu.dma_semaphore, #tpu.memory_space<semaphore_mem>>
        %dma_start3A_251 = arith.constant 0 : i32
        %dma_start3A_252 = tpu.memref_slice %arg6[%rem3A_200, %dma_start3A_251] : memref<4x256xi32, #tpu.memory_space<vmem>> -> memref<1x256xi32, #tpu.memory_space<vmem>>
        %dma_start3A_253 = tpu.memref_squeeze %dma_start3A_252 : memref<1x256xi32, #tpu.memory_space<vmem>> -> memref<256xi32, #tpu.memory_space<vmem>>
        %dma_start3A_254 = tpu.memref_slice %arg2[%mul3A_244] : memref<3276800xi32, #tpu.memory_space<hbm>> -> memref<256xi32, #tpu.memory_space<hbm>>
        tpu.enqueue_dma source(%dma_start3A_254 : memref<256xi32, #tpu.memory_space<hbm>>) target(%dma_start3A_253 : memref<256xi32, #tpu.memory_space<vmem>>) target_semaphore(%dma_start3A_250 : memref<!tpu.dma_semaphore, #tpu.memory_space<semaphore_mem>>)
      } else {
      }
      %ge3A = arith.constant 4 : i32
      %ge3A_228 = arith.cmpi sge, %scan3A_198, %ge3A : i32
      %convert_element_type3A_229 = arith.extui %ge3A_228 : i1 to i32
      %cond3A_230 = arith.constant 0 : i32
      %cond3A_231 = arith.cmpi ne, %convert_element_type3A_229, %cond3A_230 : i32
      scf.if %cond3A_231 {
        %dma_wait3A_238 = arith.constant 0 : i32
        %dma_wait3A_239 = arith.constant 0 : i32
        %dma_wait3A_240 = tpu.memref_slice %arg8[%rem3A_200, %dma_wait3A_238, %dma_wait3A_239] : memref<4x128x128xf32, #tpu.memory_space<vmem>> -> memref<1x128x128xf32, #tpu.memory_space<vmem>>
        %dma_wait3A_241 = tpu.memref_squeeze %dma_wait3A_240 : memref<1x128x128xf32, #tpu.memory_space<vmem>> -> memref<128x128xf32, #tpu.memory_space<vmem>>
        %dma_wait3A_242 = arith.constant 0 : i32
        %dma_wait3A_243 = tpu.memref_slice %arg4[%mul3A_2, %dma_wait3A_242] : memref<1638400x128xf32, #tpu.memory_space<hbm>> -> memref<128x128xf32, #tpu.memory_space<hbm>>
        %dma_wait3A_244 = tpu.memref_slice %arg11[%rem3A_200] : memref<4x!tpu.dma_semaphore, #tpu.memory_space<semaphore_mem>> -> memref<1x!tpu.dma_semaphore, #tpu.memory_space<semaphore_mem>>
        %dma_wait3A_245 = tpu.memref_squeeze %dma_wait3A_244 : memref<1x!tpu.dma_semaphore, #tpu.memory_space<semaphore_mem>> -> memref<!tpu.dma_semaphore, #tpu.memory_space<semaphore_mem>>
        %dma_wait3A_246 = arith.constant 0 : i32
        %dma_wait3A_247 = tpu.memref_slice %arg4[%mul3A_2, %dma_wait3A_246] : memref<1638400x128xf32, #tpu.memory_space<hbm>> -> memref<128x128xf32, #tpu.memory_space<hbm>>
        %dma_wait3A_248 = arith.constant 0 : i32
        %dma_wait3A_249 = arith.constant 0 : i32
        %dma_wait3A_250 = tpu.memref_slice %arg8[%rem3A_200, %dma_wait3A_248, %dma_wait3A_249] : memref<4x128x128xf32, #tpu.memory_space<vmem>> -> memref<1x128x128xf32, #tpu.memory_space<vmem>>
        %dma_wait3A_251 = tpu.memref_squeeze %dma_wait3A_250 : memref<1x128x128xf32, #tpu.memory_space<vmem>> -> memref<128x128xf32, #tpu.memory_space<vmem>>
        tpu.wait_dma2 semaphore(%dma_wait3A_245 : memref<!tpu.dma_semaphore, #tpu.memory_space<semaphore_mem>>) src(%dma_wait3A_251 : memref<128x128xf32, #tpu.memory_space<vmem>>) dst(%dma_wait3A_247 : memref<128x128xf32, #tpu.memory_space<hbm>>)
      } else {
      }
      %ge3A_232 = arith.constant 2 : i32
      %ge3A_233 = arith.cmpi sge, %scan3A_198, %ge3A_232 : i32
      %convert_element_type3A_234 = arith.extui %ge3A_233 : i1 to i32
      %cond3A_235 = arith.constant 0 : i32
      %cond3A_236 = arith.cmpi ne, %convert_element_type3A_234, %cond3A_235 : i32
      scf.if %cond3A_236 {
        %sub3A_238 = arith.constant 2 : i32
        %sub3A_239 = arith.subi %scan3A_198, %sub3A_238 : i32
        %rem3A_240 = arith.constant 4 : i32
        %rem3A_241 = arith.remsi %sub3A_239, %rem3A_240 : i32
        %sub3A_242 = arith.constant 2 : i32
        %sub3A_243 = arith.subi %scan3A_198, %sub3A_242 : i32
        %mul3A_244 = arith.constant 128 : i32
        %mul3A_245 = arith.muli %sub3A_243, %mul3A_244 : i32
        %add3A_246 = arith.addi %mul3A_2, %mul3A_245 : i32
        %dma_start3A_247 = arith.constant 0 : i32
        %dma_start3A_248 = arith.constant 0 : i32
        %dma_start3A_249 = tpu.memref_slice %arg8[%rem3A_241, %dma_start3A_247, %dma_start3A_248] : memref<4x128x128xf32, #tpu.memory_space<vmem>> -> memref<1x128x128xf32, #tpu.memory_space<vmem>>
        %dma_start3A_250 = tpu.memref_squeeze %dma_start3A_249 : memref<1x128x128xf32, #tpu.memory_space<vmem>> -> memref<128x128xf32, #tpu.memory_space<vmem>>
        %dma_start3A_251 = arith.constant 0 : i32
        %dma_start3A_252 = tpu.memref_slice %arg4[%add3A_246, %dma_start3A_251] : memref<1638400x128xf32, #tpu.memory_space<hbm>> -> memref<128x128xf32, #tpu.memory_space<hbm>>
        %dma_start3A_253 = tpu.memref_slice %arg11[%rem3A_241] : memref<4x!tpu.dma_semaphore, #tpu.memory_space<semaphore_mem>> -> memref<1x!tpu.dma_semaphore, #tpu.memory_space<semaphore_mem>>
        %dma_start3A_254 = tpu.memref_squeeze %dma_start3A_253 : memref<1x!tpu.dma_semaphore, #tpu.memory_space<semaphore_mem>> -> memref<!tpu.dma_semaphore, #tpu.memory_space<semaphore_mem>>
        %dma_start3A_255 = arith.constant 0 : i32
        %dma_start3A_256 = tpu.memref_slice %arg4[%add3A_246, %dma_start3A_255] : memref<1638400x128xf32, #tpu.memory_space<hbm>> -> memref<128x128xf32, #tpu.memory_space<hbm>>
        %dma_start3A_257 = arith.constant 0 : i32
        %dma_start3A_258 = arith.constant 0 : i32
        %dma_start3A_259 = tpu.memref_slice %arg8[%rem3A_241, %dma_start3A_257, %dma_start3A_258] : memref<4x128x128xf32, #tpu.memory_space<vmem>> -> memref<1x128x128xf32, #tpu.memory_space<vmem>>
        %dma_start3A_260 = tpu.memref_squeeze %dma_start3A_259 : memref<1x128x128xf32, #tpu.memory_space<vmem>> -> memref<128x128xf32, #tpu.memory_space<vmem>>
        tpu.enqueue_dma source(%dma_start3A_260 : memref<128x128xf32, #tpu.memory_space<vmem>>) target(%dma_start3A_256 : memref<128x128xf32, #tpu.memory_space<hbm>>) target_semaphore(%dma_start3A_254 : memref<!tpu.dma_semaphore, #tpu.memory_space<semaphore_mem>>)
      } else {
      }
      %scan3A_237 = arith.constant 0 : i32
      scf.yield %scan3A_237 : i32
    }
    %scan3A_98 = arith.constant 400 : i32
    %add3A_99 = arith.constant 50944 : i32
    %add3A_100 = arith.addi %mul3A_2, %add3A_99 : i32
    %dma_start3A_101 = arith.constant 2 : i32
    %dma_start3A_102 = arith.constant 2 : i32
    %dma_start3A_103 = arith.constant 0 : i32
    %dma_start3A_104 = arith.constant 0 : i32
    %dma_start3A_105 = tpu.memref_slice %arg8[%dma_start3A_101, %dma_start3A_103, %dma_start3A_104] : memref<4x128x128xf32, #tpu.memory_space<vmem>> -> memref<1x128x128xf32, #tpu.memory_space<vmem>>
    %dma_start3A_106 = tpu.memref_squeeze %dma_start3A_105 : memref<1x128x128xf32, #tpu.memory_space<vmem>> -> memref<128x128xf32, #tpu.memory_space<vmem>>
    %dma_start3A_107 = arith.constant 0 : i32
    %dma_start3A_108 = tpu.memref_slice %arg4[%add3A_100, %dma_start3A_107] : memref<1638400x128xf32, #tpu.memory_space<hbm>> -> memref<128x128xf32, #tpu.memory_space<hbm>>
    %dma_start3A_109 = tpu.memref_slice %arg11[%dma_start3A_102] : memref<4x!tpu.dma_semaphore, #tpu.memory_space<semaphore_mem>> -> memref<1x!tpu.dma_semaphore, #tpu.memory_space<semaphore_mem>>
    %dma_start3A_110 = tpu.memref_squeeze %dma_start3A_109 : memref<1x!tpu.dma_semaphore, #tpu.memory_space<semaphore_mem>> -> memref<!tpu.dma_semaphore, #tpu.memory_space<semaphore_mem>>
    %dma_start3A_111 = arith.constant 0 : i32
    %dma_start3A_112 = tpu.memref_slice %arg4[%add3A_100, %dma_start3A_111] : memref<1638400x128xf32, #tpu.memory_space<hbm>> -> memref<128x128xf32, #tpu.memory_space<hbm>>
    %dma_start3A_113 = arith.constant 0 : i32
    %dma_start3A_114 = arith.constant 0 : i32
    %dma_start3A_115 = tpu.memref_slice %arg8[%dma_start3A_101, %dma_start3A_113, %dma_start3A_114] : memref<4x128x128xf32, #tpu.memory_space<vmem>> -> memref<1x128x128xf32, #tpu.memory_space<vmem>>
    %dma_start3A_116 = tpu.memref_squeeze %dma_start3A_115 : memref<1x128x128xf32, #tpu.memory_space<vmem>> -> memref<128x128xf32, #tpu.memory_space<vmem>>
    tpu.enqueue_dma source(%dma_start3A_116 : memref<128x128xf32, #tpu.memory_space<vmem>>) target(%dma_start3A_112 : memref<128x128xf32, #tpu.memory_space<hbm>>) target_semaphore(%dma_start3A_110 : memref<!tpu.dma_semaphore, #tpu.memory_space<semaphore_mem>>)
    %add3A_117 = arith.constant 51072 : i32
    %add3A_118 = arith.addi %mul3A_2, %add3A_117 : i32
    %dma_start3A_119 = arith.constant 3 : i32
    %dma_start3A_120 = arith.constant 3 : i32
    %dma_start3A_121 = arith.constant 0 : i32
    %dma_start3A_122 = arith.constant 0 : i32
    %dma_start3A_123 = tpu.memref_slice %arg8[%dma_start3A_119, %dma_start3A_121, %dma_start3A_122] : memref<4x128x128xf32, #tpu.memory_space<vmem>> -> memref<1x128x128xf32, #tpu.memory_space<vmem>>
    %dma_start3A_124 = tpu.memref_squeeze %dma_start3A_123 : memref<1x128x128xf32, #tpu.memory_space<vmem>> -> memref<128x128xf32, #tpu.memory_space<vmem>>
    %dma_start3A_125 = arith.constant 0 : i32
    %dma_start3A_126 = tpu.memref_slice %arg4[%add3A_118, %dma_start3A_125] : memref<1638400x128xf32, #tpu.memory_space<hbm>> -> memref<128x128xf32, #tpu.memory_space<hbm>>
    %dma_start3A_127 = tpu.memref_slice %arg11[%dma_start3A_120] : memref<4x!tpu.dma_semaphore, #tpu.memory_space<semaphore_mem>> -> memref<1x!tpu.dma_semaphore, #tpu.memory_space<semaphore_mem>>
    %dma_start3A_128 = tpu.memref_squeeze %dma_start3A_127 : memref<1x!tpu.dma_semaphore, #tpu.memory_space<semaphore_mem>> -> memref<!tpu.dma_semaphore, #tpu.memory_space<semaphore_mem>>
    %dma_start3A_129 = arith.constant 0 : i32
    %dma_start3A_130 = tpu.memref_slice %arg4[%add3A_118, %dma_start3A_129] : memref<1638400x128xf32, #tpu.memory_space<hbm>> -> memref<128x128xf32, #tpu.memory_space<hbm>>
    %dma_start3A_131 = arith.constant 0 : i32
    %dma_start3A_132 = arith.constant 0 : i32
    %dma_start3A_133 = tpu.memref_slice %arg8[%dma_start3A_119, %dma_start3A_131, %dma_start3A_132] : memref<4x128x128xf32, #tpu.memory_space<vmem>> -> memref<1x128x128xf32, #tpu.memory_space<vmem>>
    %dma_start3A_134 = tpu.memref_squeeze %dma_start3A_133 : memref<1x128x128xf32, #tpu.memory_space<vmem>> -> memref<128x128xf32, #tpu.memory_space<vmem>>
    tpu.enqueue_dma source(%dma_start3A_134 : memref<128x128xf32, #tpu.memory_space<vmem>>) target(%dma_start3A_130 : memref<128x128xf32, #tpu.memory_space<hbm>>) target_semaphore(%dma_start3A_128 : memref<!tpu.dma_semaphore, #tpu.memory_space<semaphore_mem>>)
    %dma_wait3A = arith.constant 0 : i32
    %dma_wait3A_135 = arith.constant 0 : i32
    %dma_wait3A_136 = arith.constant 0 : i32
    %dma_wait3A_137 = arith.constant 0 : i32
    %dma_wait3A_138 = tpu.memref_slice %arg8[%dma_wait3A, %dma_wait3A_136, %dma_wait3A_137] : memref<4x128x128xf32, #tpu.memory_space<vmem>> -> memref<1x128x128xf32, #tpu.memory_space<vmem>>
    %dma_wait3A_139 = tpu.memref_squeeze %dma_wait3A_138 : memref<1x128x128xf32, #tpu.memory_space<vmem>> -> memref<128x128xf32, #tpu.memory_space<vmem>>
    %dma_wait3A_140 = arith.constant 0 : i32
    %dma_wait3A_141 = tpu.memref_slice %arg4[%mul3A_2, %dma_wait3A_140] : memref<1638400x128xf32, #tpu.memory_space<hbm>> -> memref<128x128xf32, #tpu.memory_space<hbm>>
    %dma_wait3A_142 = tpu.memref_slice %arg11[%dma_wait3A_135] : memref<4x!tpu.dma_semaphore, #tpu.memory_space<semaphore_mem>> -> memref<1x!tpu.dma_semaphore, #tpu.memory_space<semaphore_mem>>
    %dma_wait3A_143 = tpu.memref_squeeze %dma_wait3A_142 : memref<1x!tpu.dma_semaphore, #tpu.memory_space<semaphore_mem>> -> memref<!tpu.dma_semaphore, #tpu.memory_space<semaphore_mem>>
    %dma_wait3A_144 = arith.constant 0 : i32
    %dma_wait3A_145 = tpu.memref_slice %arg4[%mul3A_2, %dma_wait3A_144] : memref<1638400x128xf32, #tpu.memory_space<hbm>> -> memref<128x128xf32, #tpu.memory_space<hbm>>
    %dma_wait3A_146 = arith.constant 0 : i32
    %dma_wait3A_147 = arith.constant 0 : i32
    %dma_wait3A_148 = tpu.memref_slice %arg8[%dma_wait3A, %dma_wait3A_146, %dma_wait3A_147] : memref<4x128x128xf32, #tpu.memory_space<vmem>> -> memref<1x128x128xf32, #tpu.memory_space<vmem>>
    %dma_wait3A_149 = tpu.memref_squeeze %dma_wait3A_148 : memref<1x128x128xf32, #tpu.memory_space<vmem>> -> memref<128x128xf32, #tpu.memory_space<vmem>>
    tpu.wait_dma2 semaphore(%dma_wait3A_143 : memref<!tpu.dma_semaphore, #tpu.memory_space<semaphore_mem>>) src(%dma_wait3A_149 : memref<128x128xf32, #tpu.memory_space<vmem>>) dst(%dma_wait3A_145 : memref<128x128xf32, #tpu.memory_space<hbm>>)
    %dma_wait3A_150 = arith.constant 1 : i32
    %dma_wait3A_151 = arith.constant 1 : i32
    %dma_wait3A_152 = arith.constant 0 : i32
    %dma_wait3A_153 = arith.constant 0 : i32
    %dma_wait3A_154 = tpu.memref_slice %arg8[%dma_wait3A_150, %dma_wait3A_152, %dma_wait3A_153] : memref<4x128x128xf32, #tpu.memory_space<vmem>> -> memref<1x128x128xf32, #tpu.memory_space<vmem>>
    %dma_wait3A_155 = tpu.memref_squeeze %dma_wait3A_154 : memref<1x128x128xf32, #tpu.memory_space<vmem>> -> memref<128x128xf32, #tpu.memory_space<vmem>>
    %dma_wait3A_156 = arith.constant 0 : i32
    %dma_wait3A_157 = tpu.memref_slice %arg4[%mul3A_2, %dma_wait3A_156] : memref<1638400x128xf32, #tpu.memory_space<hbm>> -> memref<128x128xf32, #tpu.memory_space<hbm>>
    %dma_wait3A_158 = tpu.memref_slice %arg11[%dma_wait3A_151] : memref<4x!tpu.dma_semaphore, #tpu.memory_space<semaphore_mem>> -> memref<1x!tpu.dma_semaphore, #tpu.memory_space<semaphore_mem>>
    %dma_wait3A_159 = tpu.memref_squeeze %dma_wait3A_158 : memref<1x!tpu.dma_semaphore, #tpu.memory_space<semaphore_mem>> -> memref<!tpu.dma_semaphore, #tpu.memory_space<semaphore_mem>>
    %dma_wait3A_160 = arith.constant 0 : i32
    %dma_wait3A_161 = tpu.memref_slice %arg4[%mul3A_2, %dma_wait3A_160] : memref<1638400x128xf32, #tpu.memory_space<hbm>> -> memref<128x128xf32, #tpu.memory_space<hbm>>
    %dma_wait3A_162 = arith.constant 0 : i32
    %dma_wait3A_163 = arith.constant 0 : i32
    %dma_wait3A_164 = tpu.memref_slice %arg8[%dma_wait3A_150, %dma_wait3A_162, %dma_wait3A_163] : memref<4x128x128xf32, #tpu.memory_space<vmem>> -> memref<1x128x128xf32, #tpu.memory_space<vmem>>
    %dma_wait3A_165 = tpu.memref_squeeze %dma_wait3A_164 : memref<1x128x128xf32, #tpu.memory_space<vmem>> -> memref<128x128xf32, #tpu.memory_space<vmem>>
    tpu.wait_dma2 semaphore(%dma_wait3A_159 : memref<!tpu.dma_semaphore, #tpu.memory_space<semaphore_mem>>) src(%dma_wait3A_165 : memref<128x128xf32, #tpu.memory_space<vmem>>) dst(%dma_wait3A_161 : memref<128x128xf32, #tpu.memory_space<hbm>>)
    %dma_wait3A_166 = arith.constant 2 : i32
    %dma_wait3A_167 = arith.constant 2 : i32
    %dma_wait3A_168 = arith.constant 0 : i32
    %dma_wait3A_169 = arith.constant 0 : i32
    %dma_wait3A_170 = tpu.memref_slice %arg8[%dma_wait3A_166, %dma_wait3A_168, %dma_wait3A_169] : memref<4x128x128xf32, #tpu.memory_space<vmem>> -> memref<1x128x128xf32, #tpu.memory_space<vmem>>
    %dma_wait3A_171 = tpu.memref_squeeze %dma_wait3A_170 : memref<1x128x128xf32, #tpu.memory_space<vmem>> -> memref<128x128xf32, #tpu.memory_space<vmem>>
    %dma_wait3A_172 = arith.constant 0 : i32
    %dma_wait3A_173 = tpu.memref_slice %arg4[%mul3A_2, %dma_wait3A_172] : memref<1638400x128xf32, #tpu.memory_space<hbm>> -> memref<128x128xf32, #tpu.memory_space<hbm>>
    %dma_wait3A_174 = tpu.memref_slice %arg11[%dma_wait3A_167] : memref<4x!tpu.dma_semaphore, #tpu.memory_space<semaphore_mem>> -> memref<1x!tpu.dma_semaphore, #tpu.memory_space<semaphore_mem>>
    %dma_wait3A_175 = tpu.memref_squeeze %dma_wait3A_174 : memref<1x!tpu.dma_semaphore, #tpu.memory_space<semaphore_mem>> -> memref<!tpu.dma_semaphore, #tpu.memory_space<semaphore_mem>>
    %dma_wait3A_176 = arith.constant 0 : i32
    %dma_wait3A_177 = tpu.memref_slice %arg4[%mul3A_2, %dma_wait3A_176] : memref<1638400x128xf32, #tpu.memory_space<hbm>> -> memref<128x128xf32, #tpu.memory_space<hbm>>
    %dma_wait3A_178 = arith.constant 0 : i32
    %dma_wait3A_179 = arith.constant 0 : i32
    %dma_wait3A_180 = tpu.memref_slice %arg8[%dma_wait3A_166, %dma_wait3A_178, %dma_wait3A_179] : memref<4x128x128xf32, #tpu.memory_space<vmem>> -> memref<1x128x128xf32, #tpu.memory_space<vmem>>
    %dma_wait3A_181 = tpu.memref_squeeze %dma_wait3A_180 : memref<1x128x128xf32, #tpu.memory_space<vmem>> -> memref<128x128xf32, #tpu.memory_space<vmem>>
    tpu.wait_dma2 semaphore(%dma_wait3A_175 : memref<!tpu.dma_semaphore, #tpu.memory_space<semaphore_mem>>) src(%dma_wait3A_181 : memref<128x128xf32, #tpu.memory_space<vmem>>) dst(%dma_wait3A_177 : memref<128x128xf32, #tpu.memory_space<hbm>>)
    %dma_wait3A_182 = arith.constant 3 : i32
    %dma_wait3A_183 = arith.constant 3 : i32
    %dma_wait3A_184 = arith.constant 0 : i32
    %dma_wait3A_185 = arith.constant 0 : i32
    %dma_wait3A_186 = tpu.memref_slice %arg8[%dma_wait3A_182, %dma_wait3A_184, %dma_wait3A_185] : memref<4x128x128xf32, #tpu.memory_space<vmem>> -> memref<1x128x128xf32, #tpu.memory_space<vmem>>
    %dma_wait3A_187 = tpu.memref_squeeze %dma_wait3A_186 : memref<1x128x128xf32, #tpu.memory_space<vmem>> -> memref<128x128xf32, #tpu.memory_space<vmem>>
    %dma_wait3A_188 = arith.constant 0 : i32
    %dma_wait3A_189 = tpu.memref_slice %arg4[%mul3A_2, %dma_wait3A_188] : memref<1638400x128xf32, #tpu.memory_space<hbm>> -> memref<128x128xf32, #tpu.memory_space<hbm>>
    %dma_wait3A_190 = tpu.memref_slice %arg11[%dma_wait3A_183] : memref<4x!tpu.dma_semaphore, #tpu.memory_space<semaphore_mem>> -> memref<1x!tpu.dma_semaphore, #tpu.memory_space<semaphore_mem>>
    %dma_wait3A_191 = tpu.memref_squeeze %dma_wait3A_190 : memref<1x!tpu.dma_semaphore, #tpu.memory_space<semaphore_mem>> -> memref<!tpu.dma_semaphore, #tpu.memory_space<semaphore_mem>>
    %dma_wait3A_192 = arith.constant 0 : i32
    %dma_wait3A_193 = tpu.memref_slice %arg4[%mul3A_2, %dma_wait3A_192] : memref<1638400x128xf32, #tpu.memory_space<hbm>> -> memref<128x128xf32, #tpu.memory_space<hbm>>
    %dma_wait3A_194 = arith.constant 0 : i32
    %dma_wait3A_195 = arith.constant 0 : i32
    %dma_wait3A_196 = tpu.memref_slice %arg8[%dma_wait3A_182, %dma_wait3A_194, %dma_wait3A_195] : memref<4x128x128xf32, #tpu.memory_space<vmem>> -> memref<1x128x128xf32, #tpu.memory_space<vmem>>
    %dma_wait3A_197 = tpu.memref_squeeze %dma_wait3A_196 : memref<1x128x128xf32, #tpu.memory_space<vmem>> -> memref<128x128xf32, #tpu.memory_space<vmem>>
    tpu.wait_dma2 semaphore(%dma_wait3A_191 : memref<!tpu.dma_semaphore, #tpu.memory_space<semaphore_mem>>) src(%dma_wait3A_197 : memref<128x128xf32, #tpu.memory_space<vmem>>) dst(%dma_wait3A_193 : memref<128x128xf32, #tpu.memory_space<hbm>>)
    return
  }
}

</mosaic_0001>

<sc_bundles>
// kernel: kernel.3.cloned.1.call-start
scs
__scs_entry_jumppad:
0x0: {  	(pc) =	sbr.rel $0x88, $3  }
0x1: {  	(tag) =	ssettag $0x0;
	lr =	simm.s32 $0x1  }
0x2: {  	[smem:$0x3F9F] =	sst lr;
	_ =	strace $0xD0000000  }
0x3: {  	_ = 	snop  }
0x4: {  	_ = 	snop  }
0x5: {  	_ = 	snop  }
0x6: {  	_ = 	snop  }
0x7: {  	_ = 	snop  }
__scs_overlays_trampoline_lowered:
0x8: {  	[smem:$0x3FAE] =	sst s0  }
0x9: {  	[smem:$0x3FAF] =	sst s1  }
0xa: {  	[smem:$0x3FB0] =	sst s2  }
0xb: {  	[smem:$0x3FB1] =	sst s3  }
0xc: {  	[smem:$0x3FB2] =	sst s4  }
0xd: {  	[smem:$0x3FB3] =	sst s5  }
0xe: {  	[smem:$0x3FB4] =	sst s6  }
0xf: {  	[smem:$0x3FB5] =	sst s7  }
0x10: {  	[smem:$0x3FB6] =	sst s8  }
0x11: {  	[smem:$0x3FB7] =	sst s9;
	s0 =	simm.s32 @!p0 $0x0  }
0x12: {  	s1 =	sld [smem:$0x3F9D];
	s0 =	simm.s32 @p0 $0x1  }
0x13: {  	[smem:$0x3FB8] =	sst s0;
	s0 =	simm.s32 @!p1 $0x0  }
0x14: {  	s2 =	sld [smem:$0x3F9C];
	s0 =	simm.s32 @p1 $0x1  }
0x15: {  	[smem:$0x3FB9] =	sst s0;
	s0 =	simm.s32 @!p2 $0x0  }
0x16: {  	s3 =	sld [smem:$0x3FDB];
	s0 =	simm.s32 @p2 $0x1  }
0x17: {  	s4 =	simm.s32 $0x1BF5;
	[smem:$0x3FBB] =	sst s0  }
0x18: {  	s0 =	sld [smem:$0x3F9E];
	_ =	swait.ge [sflag:s4], $0x0  }
0x19: {  	s7 =	sld [smem:$0x3F9F]  }
0x1a: {  	s8 =	sadd.s32 $0xFFFFE003, lr  }
0x1b: {  	s9 =	sadd.s32 $0xFFFFFEF7, lr;
	s5 =	simm.s32 $0xFFFFFFFF;
	p2 =	slt.u32 s8, $0xFFFFF086  }
0x1c: {  	p1 =	slt.u32 s9, $0xF7A;
	s5 =	simm.s32 @!p2 $0x0  }
0x1d: {  	s5 =	simm.s32 @p1 $0x1;
	p0 =	seq.s32 s7, s2  }
0x1e: {  	s7 =	smul.u32 @!p0 $0xF7A, s2;
	p2 =	seq.s32 @!p0 s5, $0x0  }
0x1f: {  	s9 =	smul.u32 $0xF7A, s1;
	s8 =	simm.s32 @!p0 $0x1BF5;
	p2 =	por !p2, p0  }
0x20: {  	[sflag:s8] =	ssyncset.s32 @!p0 $0xFFFFF086;
	s6 =	sadd.s32 @!p0 s3, s7;
	s7 =	simm.s32 @!p0 $0x108  }
0x21: {  	s3 =	sadd.s32 s3, s9;
	s6 =	sadd.s32 @!p0 $0x88, s6;
	s7 =	simm.s32 @p2 $0x1082  }
0x22: {  	[simem:s7], [sflag:s8] =	dma.local @!p0 [hbm:s6], $0xF7A  }
0x23: {  	s9 =	sor.u32 $0xD0000000, s2;
	s6 =	simm.s32 $0x108;
	_ =	swait.ge @!p0 [sflag:s8], $0x0  }
0x24: {  	s3 =	sadd.s32 $0x88, s3;
	s6 =	simm.s32 @!p1 $0x1082;
	[sflag:s4] =	ssyncset.s32 $0xFFFFF086  }
0x25: {  	[simem:s6], [sflag:s4] =	dma.local [hbm:s3], $0xF7A  }
0x26: {  	[smem:$0x3F9F] =	sst s1;
	(tag) =	ssettag s2;
	_ =	strace s9  }
0x27: {  	s1 =	sld [smem:$0x3FAF]  }
0x28: {  	s2 =	sld [smem:$0x3FB0]  }
0x29: {  	s4 =	sld [smem:$0x3FB2]  }
0x2a: {  	p0 =	seq.s32 s5, $0x0;
	s5 =	sld [smem:$0x3FB3]  }
0x2b: {  	s6 =	sld [smem:$0x3FB4]  }
0x2c: {  	s7 =	sld [smem:$0x3FB5]  }
0x2d: {  	s3 =	simm.s32 $0x108;
	s8 =	sld [smem:$0x3FB6]  }
0x2e: {  	s3 =	simm.s32 @!p0 $0x1082;
	s9 =	sld [smem:$0x3FB7]  }
0x2f: {  	lr =	sadd.s32 s0, s3;
	s0 =	sld [smem:$0x3FAE]  }
0x30: {  	s3 =	sld [smem:$0x3FB1]  }
0x31: {  	[smem:$0x3FBA] =	sst s10  }
0x32: {  	s10 =	sld [smem:$0x3FB8];
	_ =	sdelay $0x3  }
0x33: {  	p0 =	seq.s32 s10, $0x1;
	s10 =	sld [smem:$0x3FBA];
	_ =	sdelay $0x3  }
0x34: {  	[smem:$0x3FBA] =	sst s10  }
0x35: {  	s10 =	sld [smem:$0x3FB9];
	_ =	sdelay $0x3  }
0x36: {  	p1 =	seq.s32 s10, $0x1;
	s10 =	sld [smem:$0x3FBA];
	_ =	sdelay $0x3  }
0x37: {  	[smem:$0x3FBA] =	sst s10  }
0x38: {  	s10 =	sld [smem:$0x3FBB]  }
0x39: {  	_ = 	snop;
	(pc) =	sbr.ind lr, $3  }
0x3a: {  	_ = 	snop  }
0x3b: {  	_ = 	snop  }
0x3c: {  	p2 =	seq.s32 s10, $0x1;
	s10 =	sld [smem:$0x3FBA]  }
0x3d: {  	_ =	shalt  }
0x3e: {  	_ =	shalt  }
0x3f: {  	_ =	shalt  }
0x40: {  	_ =	shalt  }
0x41: {  	_ =	shalt  }
0x42: {  	_ =	shalt  }
0x43: {  	_ =	shalt  }
0x44: {  	_ =	shalt  }
0x45: {  	_ =	shalt  }
0x46: {  	_ =	shalt  }
0x47: {  	_ =	shalt  }
0x48: {  	_ =	shalt  }
0x49: {  	_ =	shalt  }
0x4a: {  	_ =	shalt  }
0x4b: {  	_ =	shalt  }
0x4c: {  	_ =	shalt  }
0x4d: {  	_ =	shalt  }
0x4e: {  	_ =	shalt  }
0x4f: {  	_ =	shalt  }
0x50: {  	_ =	shalt  }
0x51: {  	_ =	shalt  }
0x52: {  	_ =	shalt  }
0x53: {  	_ =	shalt  }
0x54: {  	_ =	shalt  }
0x55: {  	_ =	shalt  }
0x56: {  	_ =	shalt  }
0x57: {  	_ =	shalt  }
0x58: {  	_ =	shalt  }
0x59: {  	_ =	shalt  }
0x5a: {  	_ =	shalt  }
0x5b: {  	_ =	shalt  }
0x5c: {  	_ =	shalt  }
0x5d: {  	_ =	shalt  }
0x5e: {  	_ =	shalt  }
0x5f: {  	_ =	shalt  }
0x60: {  	_ =	shalt  }
0x61: {  	_ =	shalt  }
0x62: {  	_ =	shalt  }
0x63: {  	_ =	shalt  }
0x64: {  	_ =	shalt  }
0x65: {  	_ =	shalt  }
0x66: {  	_ =	shalt  }
0x67: {  	_ =	shalt  }
0x68: {  	_ =	shalt  }
0x69: {  	_ =	shalt  }
0x6a: {  	_ =	shalt  }
0x6b: {  	_ =	shalt  }
0x6c: {  	_ =	shalt  }
0x6d: {  	_ =	shalt  }
0x6e: {  	_ =	shalt  }
0x6f: {  	_ =	shalt  }
0x70: {  	_ =	shalt  }
0x71: {  	_ =	shalt  }
0x72: {  	_ =	shalt  }
0x73: {  	_ =	shalt  }
0x74: {  	_ =	shalt  }
0x75: {  	_ =	shalt  }
0x76: {  	_ =	shalt  }
0x77: {  	_ =	shalt  }
0x78: {  	_ =	shalt  }
0x79: {  	_ =	shalt  }
0x7a: {  	_ =	shalt  }
0x7b: {  	_ =	shalt  }
0x7c: {  	_ =	shalt  }
0x7d: {  	_ =	shalt  }
0x7e: {  	_ =	shalt  }
0x7f: {  	_ =	shalt  }
0x80: {  	_ =	shalt  }
0x81: {  	_ =	shalt  }
0x82: {  	_ =	shalt  }
0x83: {  	_ =	shalt  }
0x84: {  	_ =	shalt  }
0x85: {  	_ =	shalt  }
0x86: {  	_ =	shalt  }
0x87: {  	_ =	shalt  }
.Lfunc_end0:
.L_simem_size_0:
called_computation.1_lowered:
.L_overlay_start_0:
0x88: {  	s2 =	sld [smem:$0x3FD9]  }
0x89: {  	s3 =	sld [smem:$0x3FFE];
	_ =	sdelay $0x1  }
0x8a: {  	s1 =	srdreg.scid  }
0x8b: {  	s0 =	sand.u32 $0x1, s1  }
0x8c: {  	s17 =	sshll.u32 s0, $0xA;
	s2 =	sadd.s32 s3, s2  }
0x8d: {  	s2 =	sadd.s32 s2, s17  }
0x8e: {  	[smem:$0x3FC6] =	sst s2  }
0x8f: {  	_ = 	snop  }
0x90: {  	s2 =	sld [smem:$0x3FD0];
	(tm) =	ssettm $0x1  }
0x91: {  	s18 =	sld [smem:$0x3FFB];
	_ =	sdelay $0x3  }
0x92: {  	_ =	strace s18  }
0x93: {  	s3 =	sld [smem:$0x3FFC];
	_ =	sdelay $0x3  }
0x94: {  	_ =	strace s3  }
0x95: {  	s3 =	sld [smem:$0x3FFD];
	_ =	sdelay $0x3  }
0x96: {  	_ =	strace s3  }
0x97: {  	_ =	strace $0x8FFFFFFF  }
0x98: {  	s19 =	sld [smem:$0x3FDB];
	_ =	sdelay $0x1  }
0x99: {  	s4 =	simm.s32 $_scs_section_size  }
0x9a: {  	s5 =	simm.s32 $_size__tile_overlayer_lowered;
	s6 =	simm.s32 $_tile_overlayer_lowered  }
0x9b: {  	s22 =	simm.s32 $0x1BFF;
	s21 =	sshll.u32 s6, $0x1;
	s3 =	sadd.s32 s4, s19  }
0x9c: {  	s7 =	simm.s32 $0x0;
	s20 =	sshll.u32 s5, $0x1;
	s5 =	sadd.s32 s21, s3  }
0x9d: {  	[timem:s7], [sflag:s22] =	dma.local [hbm:s5], s20  }
0x9e: {  	_ =	swait.ge [sflag:s22], s20  }
0x9f: {  	s4 =	ssub.s32 $0x0, s20;
	[sflag:s22] =	ssyncset.done $0x0  }
0xa0: {  	[sflag:s22] =	ssyncadd.s32 s4;
	_ =	sdelay $0x1  }
0xa1: {  	s23 =	simm.s32 $0x1B8B  }
0xa2: {  	_ =	swait.ge [sflag:s23], $0x1  }
0xa3: {  	[sflag:s23] =	ssyncset.done $0x0  }
0xa4: {  	s25 =	simm.s32 $0x1B8E;
	s24 =	sld [smem:$0x3FFE];
	[sflag:s23] =	ssyncadd.s32 $0xFFFFFFFF  }
0xa5: {  	s26 =	simm.s32 $execute0_lowered;
	[smem:$0x3FD2] =	sst s25  }
0xa6: {  	s5 =	sshll.u32 s26, $0x1;
	_ =	strace $0x80000046;
	[dreg:$0x1] =	wrdreg $0xFFFFFFFF  }
0xa7: {  	s28 =	simm.s32 $_size_execute0_lowered;
	s3 =	sadd.s32 s3, s5;
	[dreg:$0x0] =	wrdreg $0x0  }
0xa8: {  	s5 =	sshll.u32 s28, $0x1;
	[dreg:$0x2] =	wrdreg s3  }
0xa9: {  	[dreg:$0x3] =	wrdreg s5  }
0xaa: {  	[dreg:$0x4] =	wrdreg $0xC0  }
0xab: {  	_ =	task [dreg:s7], $0x5FFFF  }
0xac: {  	[dreg:$0x1] =	wrdreg $0xFFFFFFFF  }
0xad: {  	[dreg:$0x0] =	wrdreg $0x60  }
0xae: {  	[dreg:$0x2] =	wrdreg s24  }
0xaf: {  	[dreg:$0x3] =	wrdreg s2  }
0xb0: {  	[dreg:$0x4] =	wrdreg $0x0  }
0xb1: {  	[dreg:$0x5] =	wrdreg $0x9  }
0xb2: {  	_ =	task.clear_ibuf [dreg:s7], $0x6FFFF;
	_ =	strace $0x90000046  }
0xb3: {  	s29 =	simm.s32 $0x9;
	_ =	strace $0x80000048  }
0xb4: {  	_ =	swait.ge [sflag:s29], $0x1  }
0xb5: {  	[sflag:s29] =	ssyncadd.s32 $0xFFFFFFFF  }
0xb6: {  	_ =	strace $0x90000048  }
0xb7: {  	_ =	sfence  }
0xb8: {  	s30 =	sld [smem:$0x0];
	_ =	sdelay $0x2  }
0xb9: {  	s31 =	sshll.u32 s1, $0xD;
	s1 =	sshrl.u32 s1, $0x2  }
0xba: {  	s3 =	sand.u32 $0x4000, s31;
	s1 =	sadd.s32 s1, s30  }
0xbb: {  	s0 =	sor.u32 s3, s0;
	s1 =	sshll.u32 s1, $0x11  }
0xbc: {  	s0 =	sor.u32 s1, s0  }
0xbd: {  	s0 =	sadd.s32 $0x8F2B, s0  }
0xbe: {  	[sflag:s0] =	ssyncadd.remote.s32 $0x1  }
0xbf: {  	_ =	sfence.sel $0xFFFF  }
0xc0: {  	[dreg:$0x0] =	wrdreg $0xFFFFFFFF;
	(pc) =	sbr.abs _section_cstart, $3  }
0xc1: {  	[dreg:$0x1] =	wrdreg $0xFFFFFFFF  }
0xc2: {  	_ =	task.clear_ibuf [dreg:s7], $0x2FFFF;
	_ =	strace $0x9FFFFFFF  }
0xc3: {  	(tm) =	ssettm $0x7FFFFFFF  }
tec
execute0_lowered:
.L_overlay_start_1:
0x0: {  	(tag) =	ssettag $0x1  }
0x1: {  	s0 =	rddreg [dreg:$0x0]  }
0x2: {  	s1 =	rddreg [dreg:$0x1]  }
0x3: {  	s3 =	rddreg [dreg:$0x2]  }
0x4: {  	s2 =	simm.s32 $0x0;
	s5 =	srdreg.scid;
	s11 =	stileid.u32  }
0x5: {  	s18 =	simm.s32 $0x9;
	s19 =	simm.s32 $0x7;
	s21 =	simm.s32 $0x8  }
0x6: {  	s22 =	simm.s32 $0x0;
	[smem:$0x7FF] =	sst s2;
	s4 =	sadd.s32 $0x2200, s0  }
0x7: {  	s5 =	sand.u32 $0x1, s5;
	s6 =	sshll.u32 s11, $0x1;
	s7 =	smul.u32 $0x32000, s11  }
0x8: {  	s0 =	sadd.s32 $0x800, s0;
	s13 =	smul.u32 $0x190, s11;
	s10 =	sshll.u32 s11, $0x6  }
0x9: {  	s16 =	smul.u32 $0x19000, s11;
	_ =	strace $0x80000047;
	[dreg:$0x4] =	wrdreg s0  }
0xa: {  	s25 =	ssub.s32 $0x2, s5;
	s8 =	sor.u32 s5, s6;
	s5 =	smul.u32 $0xC800, s5  }
0xb: {  	s28 =	sor.u32 $0x1C09, s10;
	s7 =	sshrl.u32 s7, $0x2;
	s9 =	smul.u32 $0x3200, s8  }
0xc: {  	s26 =	sshrl.u32 s25, $0x1;
	s3 =	sadd.s32 s7, s3;
	s7 =	smul.u32 $0x640000, s8  }
0xd: {  	v0 =	vimm.s32 $0xECA86420;
	[dreg:$0x5] =	wrdreg s28;
	s0 =	ssub.s32 s25, s26;
	s8 =	smul.u32 $0x19000, s8  }
0xe: {  	v1 =	vimm.s32 $0xFDB97531;
	v0 =	vunpack.c.l.s4.s8 v0;
	s6 =	sadd.s32 s4, s9;
	s0 =	smax.u32 s0, $0x1;
	s17 =	sshrl.u32 s3, $0x3  }
0xf: {  	v1 =	vunpack.c.l.s4.s8 v1;
	s3 =	simm.s32 $0x6;
	s14 =	sadd.s32 $0x20, s6;
	s10 =	sadd.s32 $0x40, s6  }
.Ltmp0:
0x10: {  	vm0 =	vcmask $0x2300;
	vm1 =	vcmask $0x1F00;
	v2 =	vunpack.c.0.s8.s32 v0;
	s29 =	sshrl.u32 s7, $0x3;
	s11 =	sadd.s32 $0x60, s6;
	(pc) =	sbr.rel .LBB2_1-.Ltmp0, $4  }
0x11: {  	v4 =	vimm.s32 $0x0;
	v6 =	vimm.s32 $0x2;
	v3 =	vunpack.c.0.s8.s32 v1;
	s12 =	sor.u32 $0x400, s8;
	[dreg:$0x8] =	wrdreg s0;
	s9 =	sadd.s32 s1, s29  }
0x12: {  	v7 =	vlaneseq.u32;
	v1 =	vnsel vm0, $0x0, v2;
	vm0 =	vcmask $0x3F24;
	s8 =	sadd.s32 s5, s16;
	s20 =	sadd.s32 $0x10, s6;
	s30 =	sadd.s32 $0xC7000, s9  }
0x13: {  	v0 =	vmov s13;
	v5 =	vand.u32 $0xF, v3;
	v2 =	vnsel vm0, $0x0, v2;
	s0 =	simm.s32 $0x5;
	s31 =	sadd.s32 $0xC7800, s9;
	[dreg:$0x6] =	wrdreg s30  }
0x14: {  	vm0 =	vmmov $0xff;
	v3 =	vnsel vm1, $0x0, v5;
	v5 =	vcombine.low v4, v5;
	s15 =	smov.u32 s14;
	s23 =	sadd.s32 $0x10, s14;
	[dreg:$0x7] =	wrdreg s31  }
.LBB2_9:
0x15: {  	s5 =	rddreg [dreg:$0x6];
	s9 =	simm.s32 $0x14E00  }
0x16: {  	[hbm4b:s5+s2] =	stream.linear.scatter [tilespmem:s9], [sflag:$0x7], $0x4000, $0x38;
	[tilespmem:$0x1CE00] =	vst v63  }
0x17: {  	s29 =	rddreg [dreg:$0x7];
	s30 =	simm.s32 $0x18E00  }
0x18: {  	[hbm4b:s29+s2] =	stream.linear.scatter [tilespmem:s30], [sflag:$0x8], $0x4000, $0x38;
	[tilespmem:$0x1CE00] =	vst v63  }
0x19: {  	_ =	swait.ge [sflag:s0], $0x4000  }
0x1a: {  	[sflag:s0] =	ssyncset.done $0x0  }
0x1b: {  	[sflag:s0] =	ssyncadd.s32 $0xFFFFC000  }
0x1c: {  	_ =	swait.ge [sflag:s3], $0x4000  }
0x1d: {  	[sflag:s3] =	ssyncset.done $0x0  }
0x1e: {  	[sflag:s3] =	ssyncadd.s32 $0xFFFFC000  }
0x1f: {  	_ =	swait.ge [sflag:s19], $0x4000  }
0x20: {  	[sflag:s19] =	ssyncset.done $0x0  }
0x21: {  	[sflag:s19] =	ssyncadd.s32 $0xFFFFC000  }
0x22: {  	_ =	swait.ge [sflag:s21], $0x4000  }
0x23: {  	s22 =	sadd.s32 $0x1, s22;
	s31 =	rddreg [dreg:$0x8]  }
0x24: {  	p0 =	sne.s32 s22, s31  }
.Ltmp1:
0x25: {  	_ = 	snop;
	(pc) =	sbr.rel @!p0 .LBB2_10-.Ltmp1, $3  }
0x26: {  	_ =	sdelay $0x1  }
0x27: {  	[sflag:s21] =	ssyncset.done $0x0  }
0x28: {  	[sflag:s21] =	ssyncadd.s32 $0xFFFFC000  }
.LBB2_1:
0x29: {  	s5 =	rddreg [dreg:$0x4]  }
0x2a: {  	s9 =	rddreg [dreg:$0x5]  }
0x2b: {  	[spmem:s17], [sflag:s9] =	dma.local [hbm:s5], $0x1900  }
0x2c: {  	_ =	swait.ge [sflag:s18], $0x1900  }
0x2d: {  	[sflag:s18] =	ssyncset.done $0x0  }
0x2e: {  	[sflag:s18] =	ssyncadd.s32 $0xFFFFE700  }
0x2f: {  	s13 =	simm.s32 $0xC800;
	[bflag:$0x0] =	sbarrier.arrive $0xFFFF  }
0x30: {  	[tilespmem:s13], [sflag:$0x1] =	stream.linear.gather [hbm4b:s6+s2], $0x80, $0x38;
	[tilespmem:$0x1CE00] =	vst v63  }
0x31: {  	s14 =	simm.s32 $0xCA00  }
0x32: {  	[tilespmem:s14], [sflag:$0x1] =	stream.linear.gather [hbm4b:s20+s2], $0x80, $0x38;
	[tilespmem:$0x1CE00] =	vst v63  }
0x33: {  	s16 =	simm.s32 $0xC880  }
0x34: {  	[tilespmem:s16], [sflag:$0x2] =	stream.linear.gather [hbm4b:s15+s2], $0x80, $0x38;
	[tilespmem:$0x1CE00] =	vst v63  }
0x35: {  	s24 =	simm.s32 $0xCA80  }
0x36: {  	[tilespmem:s24], [sflag:$0x2] =	stream.linear.gather [hbm4b:s23+s2], $0x80, $0x38;
	[tilespmem:$0x1CE00] =	vst v63  }
0x37: {  	s25 =	simm.s32 $0xC900  }
0x38: {  	[tilespmem:s25], [sflag:$0x3] =	stream.linear.gather [hbm4b:s10+s2], $0x80, $0x38;
	[tilespmem:$0x1CE00] =	vst v63  }
0x39: {  	s26 =	sadd.s32 $0x10, s10;
	s28 =	simm.s32 $0xCB00  }
0x3a: {  	[tilespmem:s28], [sflag:$0x3] =	stream.linear.gather [hbm4b:s26+s2], $0x80, $0x38;
	[tilespmem:$0x1CE00] =	vst v63  }
.Ltmp2:
0x3b: {  	_ = 	snop;
	(pc) =	sbr.rel .LBB2_2-.Ltmp2, $4  }
0x3c: {  	s29 =	simm.s32 $0xC980;
	s30 =	sadd.s32 $0x10, s11;
	s31 =	simm.s32 $0xCB80  }
0x3d: {  	[tilespmem:s29], [sflag:$0x4] =	stream.linear.gather [hbm4b:s11+s2], $0x80, $0x38;
	[tilespmem:$0x1CE00] =	vst v63  }
0x3e: {  	s24 =	simm.s32 $0x0;
	s25 =	smov.u32 s8;
	s26 =	simm.s32 $0x0  }
0x3f: {  	[tilespmem:s31], [sflag:$0x4] =	stream.linear.gather [hbm4b:s30+s2], $0x80, $0x38;
	[tilespmem:$0x1CE00] =	vst v63  }
.LBB2_5:
0x40: {  	s5 =	sadd.s32 $0x5, s28  }
0x41: {  	_ =	swait.ge [sflag:s5], $0x4000  }
0x42: {  	[sflag:s5] =	ssyncset.done $0x0  }
0x43: {  	[sflag:s5] =	ssyncadd.s32 $0xFFFFC000  }
.LBB2_7:
0x44: {  	s5 =	sadd.s32 $0xFFFFFFFE, s26  }
0x45: {  	s9 =	sshll.u32 s5, $0xE  }
0x46: {  	s5 =	sand.u32 $0x3, s5;
	s9 =	sadd.s32 s7, s9  }
0x47: {  	s13 =	sshll.u32 s5, $0xE;
	s9 =	sshrl.u32 s9, $0x3  }
0x48: {  	s5 =	sadd.s32 $0x5, s5;
	s13 =	sadd.s32 $0xCE00, s13;
	s9 =	sadd.s32 s1, s9  }
0x49: {  	[hbm4b:s9+s2] =	stream.linear.scatter [tilespmem:s13], [sflag:s5], $0x4000, $0x38;
	[tilespmem:$0x1CE00] =	vst v63  }
.LBB2_8:
0x4a: {  	s26 =	sadd.s32 $0x1, s26  }
0x4b: {  	p0 =	sne.s32 s26, $0x190  }
.Ltmp3:
0x4c: {  	_ = 	snop;
	(pc) =	sbr.rel @!p0 .LBB2_9-.Ltmp3, $2  }
0x4d: {  	_ =	sdelay $0x2  }
0x4e: {  	s25 =	sadd.s32 $0x80, s25;
	s24 =	sadd.s32 $0x1, s24  }
.LBB2_2:
0x4f: {  	s5 =	sshll.u32 s26, $0x7  }
0x50: {  	s29 =	sand.u32 $0x180, s5  }
0x51: {  	s28 =	sand.u32 $0x3, s26;
	v8 =	vmov s29  }
0x52: {  	s30 =	sadd.s32 $0x1, s28  }
0x53: {  	s13 =	simm.s32 $0x0;
	_ =	swait.ge [sflag:s30], $0x100  }
0x54: {  	s9 =	sand.u32 $0x60, s13;
	s5 =	sand.u32 $0x200, s13;
	[sflag:s30] =	ssyncset.done $0x0  }
0x55: {  	s5 =	sor.u32 s9, s5;
	[sflag:s30] =	ssyncadd.s32 $0xFFFFFF00  }
0x56: {  	v9 =	vld.idx.msk [tilespmem:v8+s5+$0xC800 ss:$0x1], $0xffff  }
0x57: {  	v10 =	vld.idx.msk [tilespmem:v8+s5+$0xC810 ss:$0x1], $0xffff;
	_ =	sdelay $0x1  }
0x58: {  	v11 =	vor.u32 s25, v7  }
0x59: {  	v12 =	vmulhi.u32 $0x51EB851F, v11  }
0x5a: {  	v13 =	vperm.xlane v9, v1;
	v9 =	vperm.xlane v9, v3  }
0x5b: {  	v12 =	vshrl.u32 v12, $0x5;
	v14 =	vperm.xlane v10, v2;
	v10 =	vperm.xlane v10, v5  }
0x5c: {  	v12 =	vmul.u32 $0x64, v12  }
0x5d: {  	v13 =	vsel vm0, v13, v14;
	v9 =	vsel vm0, v9, v10  }
0x5e: {  	vm1 =	vne.s32 v13, $0x0;
	vm2 =	veq.s32 v9, $0x0;
	v9 =	vsub.s32 v11, v12  }
0x5f: {  	s14 =	sand.u32 $0x3, s24;
	v10 =	vsel vm1, $0x1, v4;
	v11 =	vsel vm2, $0x0, v6;
	v9 =	vshll.u32 v9, $0x2  }
0x60: {  	s16 =	sshll.u32 s14, $0x7;
	s13 =	simm.s32 $0x20;
	s5 =	simm.s32 $0x80;
	v10 =	vor.u32 v10, v11;
	v9 =	vadd.s32 v0, v9  }
0x61: {  	s31 =	sor.u32 $0xCC00, s16;
	s14 =	sand.u32 $0x60, s13;
	s16 =	sand.u32 $0x200, s5;
	v9 =	vor.u32 v9, v10  }
0x62: {  	s9 =	simm.s32 $0x40;
	s13 =	sor.u32 s14, s16;
	s16 =	smov.u32 s25;
	[tilespmem:s31+$0x0] =	vst v9  }
.LBB2_3:
0x63: {  	p0 =	sne.s32 s9, $0xE0;
	v9 =	vld.idx.msk [tilespmem:v8+s13+$0xC800 ss:$0x1], $0xffff  }
0x64: {  	v10 =	vld.idx.msk [tilespmem:v8+s13+$0xC810 ss:$0x1], $0xffff;
	_ =	sdelay $0x1  }
0x65: {  	s16 =	sadd.s32 $0x10, s16  }
0x66: {  	v11 =	vor.u32 s16, v7  }
0x67: {  	v12 =	vmulhi.u32 $0x51EB851F, v11  }
0x68: {  	v13 =	vperm.xlane v9, v1;
	v9 =	vperm.xlane v9, v3  }
0x69: {  	v12 =	vshrl.u32 v12, $0x5;
	v14 =	vperm.xlane v10, v2;
	v10 =	vperm.xlane v10, v5  }
0x6a: {  	v12 =	vmul.u32 $0x64, v12  }
0x6b: {  	v13 =	vsel vm0, v13, v14;
	v9 =	vsel vm0, v9, v10  }
.Ltmp4:
0x6c: {  	vm1 =	vne.s32 v13, $0x0;
	vm2 =	veq.s32 v9, $0x0;
	v9 =	vsub.s32 v11, v12;
	(pc) =	sbr.rel @p0 .LBB2_3-.Ltmp4, $4  }
0x6d: {  	v10 =	vsel vm1, $0x1, v4;
	v11 =	vsel vm2, $0x0, v6;
	v9 =	vshll.u32 v9, $0x2  }
0x6e: {  	s5 =	sadd.s32 $0x80, s5;
	v10 =	vor.u32 v10, v11;
	v9 =	vadd.s32 v0, v9  }
0x6f: {  	s31 =	sadd.s32 $0x10, s31;
	s13 =	sand.u32 $0x60, s9;
	s14 =	sand.u32 $0x200, s5;
	v9 =	vor.u32 v9, v10  }
0x70: {  	s9 =	sadd.s32 $0x20, s9;
	s13 =	sor.u32 s13, s14;
	[tilespmem:s31+$0x0] =	vst v9  }
0x71: {  	_ =	sdelay $0x3  }
0x72: {  	v9 =	vld.idx.msk [tilespmem:v8+s13+$0xC800 ss:$0x1], $0xffff  }
0x73: {  	v8 =	vld.idx.msk [tilespmem:v8+s13+$0xC810 ss:$0x1], $0xffff  }
0x74: {  	s5 =	sadd.s32 $0x10, s16  }
0x75: {  	v10 =	vor.u32 s5, v7  }
0x76: {  	v11 =	vmulhi.u32 $0x51EB851F, v10  }
0x77: {  	v12 =	vperm.xlane v9, v1;
	v9 =	vperm.xlane v9, v3  }
0x78: {  	v11 =	vshrl.u32 v11, $0x5;
	v13 =	vperm.xlane v8, v2;
	v8 =	vperm.xlane v8, v5  }
0x79: {  	v11 =	vmul.u32 $0x64, v11  }
0x7a: {  	v12 =	vsel vm0, v12, v13;
	v8 =	vsel vm0, v9, v8  }
0x7b: {  	p0 =	sgt.u32 s26, $0x18B;
	vm1 =	vne.s32 v12, $0x0;
	vm2 =	veq.s32 v8, $0x0;
	v8 =	vsub.s32 v10, v11  }
0x7c: {  	s5 =	sshll.u32 @!p0 s26, $0x8;
	v62 =	vsel vm1, $0x1, v4;
	v63 =	vsel vm2, $0x0, v6;
	v8 =	vshll.u32 v8, $0x2  }
0x7d: {  	s5 =	sadd.s32 @!p0 s5, s12;
	v9 =	vor.u32 v62, v63;
	v8 =	vadd.s32 v0, v8  }
0x7e: {  	s9 =	sadd.s32 $0x10, s31;
	s5 =	sshrl.u32 @!p0 s5, $0x3;
	v8 =	vor.u32 v8, v9  }
0x7f: {  	s13 =	simm.s32 @!p0 $0x0;
	s5 =	sadd.s32 @!p0 s4, s5;
	[tilespmem:s9+$0x0] =	vst v8;
	s9 =	sor.u32 @!p0 $0xC800, s29  }
0x80: {  	[tilespmem:s9], [sflag:s30] =	stream.linear.gather @!p0 [hbm4b:s5+s13], $0x80, $0x38;
	[tilespmem:$0x1CE00] =	vst v63  }
0x81: {  	p1 =	slt.u32 @!p0 s26, $0x4;
	s5 =	sadd.s32 @!p0 $0x10, s5;
	s9 =	sor.u32 @!p0 $0xCA00, s29  }
0x82: {  	[tilespmem:s9], [sflag:s30] =	stream.linear.gather @!p0 [hbm4b:s5+s13], $0x80, $0x38;
	[tilespmem:$0x1CE00] =	vst v63  }
0x83: {  	p0 =	por p0, !p1  }
.Ltmp5:
0x84: {  	_ = 	snop;
	(pc) =	sbr.rel @p0 .LBB2_5-.Ltmp5, $1  }
0x85: {  	_ =	sdelay $0x3  }
0x86: {  	p0 =	slt.u32 s26, $0x2  }
.Ltmp6:
0x87: {  	_ = 	snop;
	(pc) =	sbr.rel @p0 .LBB2_8-.Ltmp6, $4  }
.Ltmp7:
0x88: {  	_ = 	snop;
	(pc) =	sbr.rel @!p0 .LBB2_7-.Ltmp7, $4  }
0x89: {  	_ = 	snop  }
0x8a: {  	_ = 	snop  }
0x8b: {  	_ = 	snop  }
0x8c: {  	_ = 	snop  }
.LBB2_10:
0x8d: {  	_ =	sfence.sel $0x180000  }
0x8e: {  	[bflag:$0x0] =	sbarrier.arrive $0xFFFF  }
0x8f: {  	_ =	strace $0x90000047  }
0x90: {  	s0 =	stileid.u32;
	[bflag:$0x2] =	sbarrier.arrive $0xFFFF  }
0x91: {  	p0 =	sne.s32 s0, $0x0;
	s0 =	rddreg [dreg:$0x3]  }
0x92: {  	s0 =	sadd.s32 @!p0 $0x100000, s0  }
0x93: {  	[sflag:s0] =	ssyncadd.tile.s32 @!p0 $0x1;
	_ =	shalt  }
.Lfunc_end2:
_tile_overlayer_lowered:
.L_overlay_start_2:
0x94: {  	(tag) =	ssettag $0x2  }
0x95: {  	s0 =	rddreg [dreg:$0x0];
	s2 =	stileid.u32  }
0x96: {  	s1 =	rddreg [dreg:$0x1];
	p0 =	sne.s32 s2, $0x0  }
0x97: {  	s3 =	rddreg [dreg:$0x2];
	[bflag:$0x3] =	sbarrier.arrive $0xFFFF;
	s2 =	simm.s32 @!p0 $0x1C09  }
0x98: {  	[timem:s3], [sflag:s2] =	dma.local @!p0 [hbm:s0], s1  }
0x99: {  	s0 =	simm.s32 @!p0 $0x9  }
0x9a: {  	_ =	swait.ge @!p0 [sflag:s0], s1  }
0x9b: {  	s1 =	ssub.s32 @!p0 $0x0, s1;
	[sflag:s0] =	ssyncset.done @!p0 $0x0  }
0x9c: {  	[sflag:s0] =	ssyncadd.s32 @!p0 s1  }
0x9d: {  	[bflag:$0x3] =	sbarrier.arrive $0xFFFF  }
0x9e: {  	_ =	shalt  }

// kernel: sparse-core-data-format-call.cloned.1.call-start
scs
called_computation_lowered:
.L_overlay_start_0:
0x0: {  	s2 =	sld [smem:$0x3FD9]  }
0x1: {  	s3 =	sld [smem:$0x3FFE];
	_ =	sdelay $0x1  }
0x2: {  	s1 =	srdreg.scid  }
0x3: {  	s0 =	sand.u32 $0x1, s1  }
0x4: {  	s18 =	sshll.u32 s0, $0xA;
	s2 =	sadd.s32 s3, s2  }
0x5: {  	s2 =	sadd.s32 s2, s18  }
0x6: {  	[smem:$0x3FC6] =	sst s2  }
0x7: {  	_ = 	snop  }
0x8: {  	s2 =	sld [smem:$0x3FD0];
	(tm) =	ssettm $0x1  }
0x9: {  	s19 =	sld [smem:$0x3FFB];
	_ =	sdelay $0x3  }
0xa: {  	_ =	strace s19  }
0xb: {  	s3 =	sld [smem:$0x3FFC];
	_ =	sdelay $0x3  }
0xc: {  	_ =	strace s3  }
0xd: {  	s3 =	sld [smem:$0x3FFD];
	_ =	sdelay $0x3  }
0xe: {  	_ =	strace s3  }
0xf: {  	_ =	strace $0x8FFFFFFF  }
0x10: {  	s20 =	sld [smem:$0x3FDB];
	_ =	sdelay $0x1  }
0x11: {  	s4 =	simm.s32 $_scs_section_size  }
0x12: {  	s5 =	simm.s32 $_size__tile_overlayer_lowered;
	s6 =	simm.s32 $_tile_overlayer_lowered  }
0x13: {  	s23 =	simm.s32 $0x1BFF;
	s22 =	sshll.u32 s6, $0x1;
	s3 =	sadd.s32 s4, s20  }
0x14: {  	s7 =	simm.s32 $0x0;
	s21 =	sshll.u32 s5, $0x1;
	s5 =	sadd.s32 s22, s3  }
0x15: {  	[timem:s7], [sflag:s23] =	dma.local [hbm:s5], s21  }
0x16: {  	_ =	swait.ge [sflag:s23], s21  }
0x17: {  	s4 =	ssub.s32 $0x0, s21;
	[sflag:s23] =	ssyncset.done $0x0  }
0x18: {  	[sflag:s23] =	ssyncadd.s32 s4;
	_ =	sdelay $0x1  }
0x19: {  	s24 =	simm.s32 $0x1B8B  }
0x1a: {  	_ =	swait.ge [sflag:s24], $0x1  }
0x1b: {  	[sflag:s24] =	ssyncset.done $0x0  }
0x1c: {  	s26 =	simm.s32 $0x1B8E;
	s25 =	sld [smem:$0x3FFE];
	[sflag:s24] =	ssyncadd.s32 $0xFFFFFFFF  }
0x1d: {  	s27 =	simm.s32 $execute0_lowered;
	[smem:$0x3FD2] =	sst s26  }
0x1e: {  	s5 =	sshll.u32 s27, $0x1;
	_ =	strace $0x80000049;
	[dreg:$0x1] =	wrdreg $0xFFFFFFFF  }
0x1f: {  	s28 =	simm.s32 $_size_execute0_lowered;
	s3 =	sadd.s32 s3, s5;
	[dreg:$0x0] =	wrdreg $0x0  }
0x20: {  	s5 =	sshll.u32 s28, $0x1;
	[dreg:$0x2] =	wrdreg s3  }
0x21: {  	[dreg:$0x3] =	wrdreg s5  }
0x22: {  	[dreg:$0x4] =	wrdreg $0xC0  }
0x23: {  	_ =	task [dreg:s7], $0x5FFFF  }
0x24: {  	[dreg:$0x1] =	wrdreg $0xFFFFFFFF  }
0x25: {  	[dreg:$0x0] =	wrdreg $0x60  }
0x26: {  	[dreg:$0x2] =	wrdreg s25  }
0x27: {  	[dreg:$0x3] =	wrdreg s2  }
0x28: {  	[dreg:$0x4] =	wrdreg $0x9  }
0x29: {  	_ =	task.clear_ibuf [dreg:s7], $0x5FFFF;
	_ =	strace $0x90000049  }
0x2a: {  	s29 =	simm.s32 $0x9;
	_ =	strace $0x8000004B  }
0x2b: {  	_ =	swait.ge [sflag:s29], $0x1  }
0x2c: {  	[sflag:s29] =	ssyncadd.s32 $0xFFFFFFFF  }
0x2d: {  	_ =	strace $0x9000004B  }
0x2e: {  	_ =	sfence  }
0x2f: {  	s30 =	sld [smem:$0x0];
	_ =	sdelay $0x2  }
0x30: {  	s31 =	sshll.u32 s1, $0xD;
	s1 =	sshrl.u32 s1, $0x2  }
0x31: {  	s3 =	sand.u32 $0x4000, s31;
	s1 =	sadd.s32 s1, s30  }
0x32: {  	s0 =	sor.u32 s3, s0;
	s1 =	sshll.u32 s1, $0x11  }
0x33: {  	s0 =	sor.u32 s1, s0  }
0x34: {  	s0 =	sadd.s32 $0x8F2B, s0  }
0x35: {  	[sflag:s0] =	ssyncadd.remote.s32 $0x1  }
0x36: {  	_ =	sfence.sel $0xFFFF  }
0x37: {  	[dreg:$0x0] =	wrdreg $0xFFFFFFFF;
	(pc) =	sbr.abs _section_cstart, $3  }
0x38: {  	[dreg:$0x1] =	wrdreg $0xFFFFFFFF  }
0x39: {  	_ =	task.clear_ibuf [dreg:s7], $0x2FFFF;
	_ =	strace $0x9FFFFFFF  }
0x3a: {  	(tm) =	ssettm $0x7FFFFFFF  }
0x3b: {  	_ =	shalt  }
tec
execute0_lowered:
.L_overlay_start_1:
0x0: {  	(tag) =	ssettag $0x1  }
0x1: {  	s0 =	srdreg.scid  }
0x2: {  	s1 =	sshll.u32 s0, $0x4  }
0x3: {  	s0 =	stileid.u32;
	s1 =	sand.u32 $0x10, s1  }
0x4: {  	s1 =	sor.u32 s0, s1  }
0x5: {  	s6 =	rddreg [dreg:$0x0];
	s4 =	simm.s32 $0x1;
	s2 =	sshll.u32 s1, $0x7  }
0x6: {  	s7 =	simm.s32 $0x2;
	s12 =	simm.s32 $0x0;
	s1 =	ssub.s32 $0x4000, s2  }
0x7: {  	s8 =	simm.s32 $0x20000;
	s13 =	simm.s32 $0x0;
	s3 =	sand.u32 $0xF80, s1  }
0x8: {  	s9 =	simm.s32 $0x0;
	s5 =	sshrl.u32 s1, $0xC;
	p0 =	sne.s32 s3, $0x0  }
.Ltmp0:
0x9: {  	s1 =	rddreg [dreg:$0x2];
	s4 =	simm.s32 @!p0 $0x0;
	(pc) =	sbr.rel .LBB1_1-.Ltmp0, $4  }
0xa: {  	s11 =	simm.s32 $0x0;
	s3 =	rddreg [dreg:$0x1];
	s5 =	sadd.s32 s4, s5  }
0xb: {  	_ =	strace $0x8000004A;
	s4 =	simm.s32 $0x1;
	s5 =	smul.u32 $0xC8, s5  }
0xc: {  	s6 =	sadd.s32 $0x800, s6;
	s10 =	smov.u32 s2;
	[sflag:s4] =	ssyncpa.u1 $0x0  }
0xd: {  	p0 =	por $0x0, $0x0;
	[sflag:s7] =	ssyncpa.u1 $0x0;
	s7 =	sor.u32 $0x1, s5  }
.LBB1_4:
0xe: {  	s16 =	sshll.u32 s13, $0x3;
	s17 =	sand.u32 $0x78, s13  }
0xf: {  	s30 =	sand.u32 $0x1F800, s13;
	s12 =	sshll.u32 s12, $0x11;
	s16 =	sand.u32 $0x3C00, s16  }
0x10: {  	[tilespmem:s15+$0x810 ss:$0x81] =	vst.msk $0xffff, v2;
	s31 =	sand.u32 $0x7, s13;
	s16 =	sor.u32 s17, s16;
	s17 =	sadd.s32 s3, s30  }
0x11: {  	[tilespmem:s15+$0x1020 ss:$0x81] =	vst.msk $0xffff, v0;
	s13 =	sshll.u32 s31, $0x12;
	s12 =	sadd.s32 s12, s17;
	s16 =	sshrl.u32 s16, $0x3  }
0x12: {  	[tilespmem:s15+$0x0 ss:$0x81] =	vst.msk $0xffff, v1;
	s13 =	sor.u32 $0x400, s13;
	s12 =	sadd.s32 s16, s12  }
0x13: {  	[hbm4b:s12+s13] =	stream.strided.scatter [tilespmem:s14], [sflag:$0x2], $0x2000, s8, s13, $0x20;
	[tilespmem:$0x8080] =	vst v63  }
.LBB1_5:
0x14: {  	s14 =	sadd.s32 $0x1, s9  }
0x15: {  	s12 =	sadd.s32 $0x1000, s10;
	s16 =	smov.u32 s10;
	p2 =	sgt.s32 s14, $0xC7  }
0x16: {  	s16 =	smov.u32 @p2 s12  }
0x17: {  	s14 =	simm.s32 @p2 $0x0;
	p2 =	sgt.s32 s16, $0x3FFF  }
0x18: {  	s16 =	smov.u32 @p2 s2;
	p2 =	sne.s32 s11, s7  }
.Ltmp1:
0x19: {  	p1 =	slt.u32 s11, $0x2;
	(pc) =	sbr.rel @!p2 .LBB1_6-.Ltmp1, $4  }
0x1a: {  	s15 =	simm.s32 @!p1 $0x2  }
0x1b: {  	s13 =	smov.u32 s10;
	p0 =	por !p0, !p0;
	_ =	swait.ge @!p1 [sflag:s15], $0x2000  }
0x1c: {  	s12 =	smov.u32 s9;
	[sflag:s15] =	ssyncset.done @!p1 $0x0;
	s9 =	smov.u32 s14  }
0x1d: {  	s11 =	sadd.s32 $0x1, s11;
	[sflag:s15] =	ssyncadd.s32 @!p1 $0xFFFFE000;
	s10 =	smov.u32 s16  }
.LBB1_1:
0x1e: {  	p1 =	sge.u32 s11, s5  }
0x1f: {  	s14 =	sand.u32 @!p1 $0x1FFFFFF, s9  }
0x20: {  	s15 =	smulhi.u32 @!p1 $0x147AE15, s14;
	_ =	sdelay $0x1  }
0x21: {  	s15 =	smul.u32 @!p1 $0xC8, s15  }
0x22: {  	s16 =	sxor.u32 @!p1 $0xFFFFFFFF, s11;
	s17 =	smul.u32 @!p1 $0xC80, s10  }
0x23: {  	s31 =	sadd.s32 $0xFFFFFFFF, s11;
	s16 =	sshll.u32 @!p1 s16, $0xD;
	s14 =	ssub.s32 @!p1 s14, s15  }
0x24: {  	s15 =	sand.u32 @!p1 $0x2000, s16;
	s16 =	sadd.s32 @!p1 s6, s17;
	s14 =	sshll.u32 @!p1 s14, $0x4  }
0x25: {  	s17 =	simm.s32 @!p1 $0x6400;
	s14 =	sadd.s32 @!p1 s14, s16;
	s16 =	simm.s32 @!p1 $0x40  }
0x26: {  	[tilespmem:s15], [sflag:$0x1] =	stream.strided.gather @!p1 [hbm4b:s14+s16], $0x2000, s17, s16, $0x38;
	[tilespmem:$0x8080] =	vst v63  }
0x27: {  	p1 =	sge.u32 s31, s5  }
.Ltmp2:
0x28: {  	_ = 	snop;
	(pc) =	sbr.rel @p1 .LBB1_5-.Ltmp2, $1  }
0x29: {  	_ =	sdelay $0x3  }
0x2a: {  	s14 =	simm.s32 $0x1  }
0x2b: {  	_ =	swait.ge [sflag:s4], $0x2000;
	s14 =	simm.s32 @!p0 $0x0  }
0x2c: {  	[sflag:s4] =	ssyncset.done $0x0;
	s15 =	sshll.u32 s14, $0xD  }
0x2d: {  	[sflag:s4] =	ssyncadd.s32 $0xFFFFE000;
	s18 =	sor.u32 $0x20, s15  }
0x2e: {  	s14 =	smul.u32 $0x8100, s14;
	v3 =	vld [tilespmem:s18+$0x10]  }
0x2f: {  	s30 =	sand.u32 $0x1, s11;
	v2 =	vld [tilespmem:s18+$0xFFFFFFF0]  }
0x30: {  	s15 =	smul.u32 $0x8100, s30;
	s14 =	sshrl.u32 s14, $0x2;
	v0 =	vld [tilespmem:s18+$0x0]  }
0x31: {  	v1 =	vld [tilespmem:s18+$0xFFFFFFE0];
	s16 =	sor.u32 $0x4000, s14  }
0x32: {  	s31 =	sshrl.u32 s15, $0x2;
	s15 =	sadd.s32 $0x0, s16  }
0x33: {  	s17 =	simm.s32 $0x4;
	s18 =	sadd.s32 $0x40, s18;
	s14 =	sor.u32 $0x4000, s31;
	[tilespmem:s15+$0x1830 ss:$0x81] =	vst.msk $0xffff, v3  }
.LBB1_3:
0x34: {  	v3 =	vld [tilespmem:s18+$0x10];
	p1 =	sne.s32 s17, $0x1FC;
	[tilespmem:s15+$0x810 ss:$0x81] =	vst.msk $0xffff, v2;
	s19 =	smov.u32 s17;
	s17 =	sadd.s32 $0x4, s17  }
.Ltmp3:
0x35: {  	v2 =	vld [tilespmem:s18+$0xFFFFFFF0];
	[tilespmem:s15+$0x1020 ss:$0x81] =	vst.msk $0xffff, v0;
	(pc) =	sbr.rel @p1 .LBB1_3-.Ltmp3, $4  }
0x36: {  	v0 =	vld [tilespmem:s18+$0x0];
	[tilespmem:s15+$0x0 ss:$0x81] =	vst.msk $0xffff, v1  }
0x37: {  	s15 =	sshra.s32 s19, $0x2;
	v1 =	vld [tilespmem:s18+$0xFFFFFFE0]  }
0x38: {  	s15 =	sadd.s32 s15, s16  }
0x39: {  	s18 =	sadd.s32 $0x40, s18;
	[tilespmem:s15+$0x1830 ss:$0x81] =	vst.msk $0xffff, v3  }
.Ltmp4:
0x3a: {  	_ = 	snop;
	(pc) =	sbr.rel .LBB1_4-.Ltmp4, $1  }
0x3b: {  	_ =	sdelay $0x3  }
.LBB1_6:
0x3c: {  	_ =	sfence.sel $0x180000  }
0x3d: {  	s2 =	simm.s32 $0x1;
	[bflag:$0x0] =	sbarrier.arrive $0xFFFF  }
0x3e: {  	s31 =	simm.s32 $0x2;
	[sflag:s2] =	ssyncpa.u1 $0x1  }
0x3f: {  	[sflag:s31] =	ssyncpa.u1 $0x1  }
0x40: {  	p0 =	sne.s32 s0, $0x0;
	_ =	strace $0x9000004A  }
0x41: {  	s0 =	sadd.s32 @!p0 $0x100000, s1;
	[bflag:$0x2] =	sbarrier.arrive $0xFFFF  }
0x42: {  	[sflag:s0] =	ssyncadd.tile.s32 @!p0 $0x1;
	_ =	shalt  }
.Lfunc_end1:
_tile_overlayer_lowered:
.L_overlay_start_2:
0x43: {  	(tag) =	ssettag $0x2  }
0x44: {  	s0 =	rddreg [dreg:$0x0];
	s2 =	stileid.u32  }
0x45: {  	s1 =	rddreg [dreg:$0x1];
	p0 =	sne.s32 s2, $0x0  }
0x46: {  	s3 =	rddreg [dreg:$0x2];
	[bflag:$0x3] =	sbarrier.arrive $0xFFFF;
	s2 =	simm.s32 @!p0 $0x1C01  }
0x47: {  	[timem:s3], [sflag:s2] =	dma.local @!p0 [hbm:s0], s1  }
0x48: {  	s0 =	simm.s32 @!p0 $0x1  }
0x49: {  	_ =	swait.ge @!p0 [sflag:s0], s1  }
0x4a: {  	s1 =	ssub.s32 @!p0 $0x0, s1;
	[sflag:s0] =	ssyncset.done @!p0 $0x0  }
0x4b: {  	[sflag:s0] =	ssyncadd.s32 @!p0 s1  }
0x4c: {  	[bflag:$0x3] =	sbarrier.arrive $0xFFFF  }
0x4d: {  	_ =	shalt  }

</sc_bundles>
